<compile_context>
chip_gen: v7x
topology: tpu7x:2x2x1
jax: 0.10.2.dev20260603
libtpu: 0.0.44.dev20260713+nightly
codegen_flags: <defaults>
</compile_context>

<pallas_src>
import functools

import jax
import jax.numpy as jnp
from jax import lax
from jax.experimental import pallas as pl
from jax.experimental.pallas import tpu as pltpu
from jax.experimental.pallas import tpu_sc as plsc

TOKENS = 16384
D_MODEL = 4096
N_EXPERTS = 64
TOP_K = 8
TB = 512

NW = 32
CHUNK_TOKENS = (16384,)


def _matmul_body(x_ref, w_ref, b_ref, s_ref):
    z = jnp.dot(x_ref[...], w_ref[...], preferred_element_type=jnp.float32)
    s_ref[...] = jax.nn.sigmoid(z + b_ref[...])


_GDN = lax.GatherDimensionNumbers(
    offset_dims=(), collapsed_slice_dims=(0,), start_index_map=(0,)
)


def _lane_perm(x, perm):
    return lax.gather(
        x, perm[:, None], _GDN, (1,),
        mode=lax.GatherScatterMode.PROMISE_IN_BOUNDS,
    )


def _make_route(ct):
    chunk = ct // NW
    pairs = chunk // 2

    def body(s_hbm, gs_hbm, idx_hbm, s_v, gs_v, idx_v):
        wid = lax.axis_index("s") * 2 + lax.axis_index("c")
        base = wid * chunk
        pltpu.sync_copy(s_hbm.at[pl.ds(base, chunk), :], s_v)

        lane = lax.iota(jnp.int32, 16)
        m8 = lane < 8
        perm = jnp.where(m8, lane, lane - 8)

        def merge(ka, va, kb, vb):
            km = jnp.where(m8, ka, _lane_perm(kb, perm))
            vm = jnp.where(m8, va, _lane_perm(vb, perm))
            return plsc.sort_key_val(km, vm, descending=True)

        def topk_token(t):
            ks, vs = [], []
            for q in range(4):
                k = s_v[t, pl.ds(q * 16, 16)]
                kk, vv = plsc.sort_key_val(k, lane + q * 16, descending=True)
                ks.append(kk)
                vs.append(vv)
            k01, v01 = merge(ks[0], vs[0], ks[1], vs[1])
            k23, v23 = merge(ks[2], vs[2], ks[3], vs[3])
            kf, vf = merge(k01, v01, k23, v23)
            tot = jnp.sum(jnp.where(m8, kf, 0.0))
            return kf / tot, vf

        @plsc.parallel_loop(0, pairs, unroll=8)
        def pair_body(p):
            ga, ia = topk_token(2 * p)
            gb, ib = topk_token(2 * p + 1)
            gs_v[pl.ds(16 * p, 16)] = jnp.where(m8, ga, _lane_perm(gb, perm))
            idx_v[pl.ds(16 * p, 16)] = jnp.where(m8, ia, _lane_perm(ib, perm))

        pltpu.sync_copy(gs_v, gs_hbm.at[pl.ds(base * TOP_K, chunk * TOP_K)])
        pltpu.sync_copy(idx_v, idx_hbm.at[pl.ds(base * TOP_K, chunk * TOP_K)])

    return functools.partial(
        pl.kernel,
        out_type=[
            jax.ShapeDtypeStruct((ct * TOP_K,), jnp.float32),
            jax.ShapeDtypeStruct((ct * TOP_K,), jnp.int32),
        ],
        mesh=plsc.VectorSubcoreMesh(core_axis_name="c", subcore_axis_name="s"),
        scratch_types=[
            pltpu.VMEM((chunk, N_EXPERTS), jnp.float32),
            pltpu.VMEM((chunk * TOP_K,), jnp.float32),
            pltpu.VMEM((chunk * TOP_K,), jnp.int32),
        ],
        compiler_params=pltpu.CompilerParams(needs_layout_passes=False),
    )(body)


_route_calls = {ct: _make_route(ct) for ct in sorted(set(CHUNK_TOKENS))}


def _matmul_chunk(x, W, b2, tok_off, ct):
    return pl.pallas_call(
        _matmul_body,
        grid=(ct // TB,),
        in_specs=[
            pl.BlockSpec(
                (TB, D_MODEL), lambda t, o=tok_off // TB: (t + o, 0)
            ),
            pl.BlockSpec((D_MODEL, N_EXPERTS), lambda t: (0, 0)),
            pl.BlockSpec((1, N_EXPERTS), lambda t: (0, 0)),
        ],
        out_specs=pl.BlockSpec((TB, N_EXPERTS), lambda t: (t, 0)),
        out_shape=jax.ShapeDtypeStruct((ct, N_EXPERTS), jnp.float32),
        compiler_params=pltpu.CompilerParams(
            dimension_semantics=("arbitrary",),
        ),
    )(x, W, b2)


@jax.jit
def kernel(x, W, b):
    b2 = b.reshape(1, N_EXPERTS)
    ss, gss, idxs = [], [], []
    off = 0
    for ct in CHUNK_TOKENS:
        s_c = _matmul_chunk(x, W, b2, off, ct)
        g_c, i_c = _route_calls[ct](s_c)
        ss.append(s_c)
        gss.append(g_c)
        idxs.append(i_c)
        off += ct
    s = jnp.concatenate(ss, axis=0)
    gs = jnp.concatenate(gss, axis=0).reshape(TOKENS, TOP_K)
    idx = jnp.concatenate(idxs, axis=0).reshape(TOKENS, TOP_K)
    return (gs, idx, s)

# --- scband reference (transcript-rebuilt; emitter-appended) ---
"""Pipeline reference for scband-noisy-kgate-9268539425526 (READ-ONLY COPY).

The authoritative reference and input builder live on the scoring server;
editing this copy changes nothing except your own understanding.
"""

import jax, jax.numpy as jnp
import numpy as np

N_EXPERTS = 64
TOP_K = 8
D_MODEL = 4096
TOKENS = 16384


def setup_inputs(seed: int = 0) -> dict:
    key = jax.random.key(seed)
    k1, k2 = jax.random.split(key)
    x = jax.random.normal(k1, (TOKENS, D_MODEL), dtype=jnp.float32)
    W = jax.random.normal(k2, (D_MODEL, N_EXPERTS), dtype=jnp.float32) * (1.0 / np.sqrt(D_MODEL))
    b = jnp.zeros((N_EXPERTS,), dtype=jnp.float32)
    return {"x": x, "W": W, "b": b}


def reference(x, W, b):
    # Dense centroids + sigmoid
    s = jax.nn.sigmoid(jnp.dot(x, W) + b)  # [T, E]
    # per-token top-k gating, mirroring NoisyKGate.top applied along last axis
    g_i, indices = jax.lax.top_k(s, TOP_K)  # [T, k], [T, k]
    rows = jnp.arange(s.shape[0])[:, None]
    g = jnp.zeros_like(s).at[rows, indices].set(g_i)  # scatter-overwrite
    g = g / jnp.sum(g, axis=-1, keepdims=True)
    g_scores = jnp.take_along_axis(g, indices, axis=-1)  # gather back
    return (g_scores, indices, s)

if __name__ == "__main__":
    import jax
    _d = setup_inputs()
    print(jax.jit(kernel)(*tuple(_d.values())))

</pallas_src>

<mosaic_0001>
#map = affine_map<(d0, d1) -> (0, 0)>
#map1 = affine_map<(d0, d1) -> (0)>
module attributes {stable_mosaic.version = 14 : i64} {
  func.func @body(%arg0: i32, %arg1: i32, %arg2: memref<16384x64xf32, #tpu.memory_space<hbm>>, %arg3: memref<131072xf32, #tpu.memory_space<hbm>>, %arg4: memref<131072xi32, #tpu.memory_space<hbm>>, %arg5: memref<512x64xf32, #tpu.memory_space<vmem>>, %arg6: memref<4096xf32, #tpu.memory_space<vmem>>, %arg7: memref<4096xi32, #tpu.memory_space<vmem>>) attributes {dimension_semantics = [#tpu.dimension_semantics<core_parallel>, #tpu.dimension_semantics<subcore_parallel>], iteration_bounds = array<i64: 2, 16>, scalar_prefetch = 0 : i64, scratch_operands = 3 : i64, tpu.core_type = #tpu.core_type<sc_vector_subcore>, window_params = [{transform_indices = #map}, {transform_indices = #map1}, {transform_indices = #map1}]} {
    %mul3A = arith.constant 2 : i32
    %mul3A_0 = arith.muli %arg1, %mul3A : i32
    %add3A = arith.addi %mul3A_0, %arg0 : i32
    %mul3A_1 = arith.constant 512 : i32
    %mul3A_2 = arith.muli %add3A, %mul3A_1 : i32
    "tpu.region"() ({
      %run_scoped3A = tpu.sem_alloc : memref<!tpu.dma_semaphore, #tpu.memory_space<semaphore_mem>>
      %dma_start3A = arith.constant 0 : i32
      %dma_start3A_13 = tpu.memref_slice %arg2[%mul3A_2, %dma_start3A] : memref<16384x64xf32, #tpu.memory_space<hbm>> -> memref<512x64xf32, #tpu.memory_space<hbm>>
      %dma_start3A_14 = arith.constant 0 : i32
      %dma_start3A_15 = tpu.memref_slice %arg2[%mul3A_2, %dma_start3A_14] : memref<16384x64xf32, #tpu.memory_space<hbm>> -> memref<512x64xf32, #tpu.memory_space<hbm>>
      tpu.enqueue_dma source(%dma_start3A_15 : memref<512x64xf32, #tpu.memory_space<hbm>>) target(%arg5 : memref<512x64xf32, #tpu.memory_space<vmem>>) target_semaphore(%run_scoped3A : memref<!tpu.dma_semaphore, #tpu.memory_space<semaphore_mem>>)
      %dma_wait3A = arith.constant 0 : i32
      %dma_wait3A_16 = tpu.memref_slice %arg2[%mul3A_2, %dma_wait3A] : memref<16384x64xf32, #tpu.memory_space<hbm>> -> memref<512x64xf32, #tpu.memory_space<hbm>>
      %dma_wait3A_17 = arith.constant 0 : i32
      %dma_wait3A_18 = tpu.memref_slice %arg2[%mul3A_2, %dma_wait3A_17] : memref<16384x64xf32, #tpu.memory_space<hbm>> -> memref<512x64xf32, #tpu.memory_space<hbm>>
      tpu.wait_dma2 semaphore(%run_scoped3A : memref<!tpu.dma_semaphore, #tpu.memory_space<semaphore_mem>>) src(%dma_wait3A_18 : memref<512x64xf32, #tpu.memory_space<hbm>>) dst(%arg5 : memref<512x64xf32, #tpu.memory_space<vmem>>)
      tpu.yield
    }) : () -> ()
    %iota3A = tpu.iota {dimensions = array<i32: 0>} : vector<16xi32>
    %lt3A = arith.constant 8 : i32
    %lt3A_3 = vector.broadcast %lt3A : i32 to vector<16xi32>
    %lt3A_4 = arith.cmpi slt, %iota3A, %lt3A_3 : vector<16xi32>
    %sub3A = arith.constant 8 : i32
    %sub3A_5 = vector.broadcast %sub3A : i32 to vector<16xi32>
    %sub3A_6 = arith.subi %iota3A, %sub3A_5 : vector<16xi32>
    %select_n3A = arith.select %lt3A_4, %iota3A, %sub3A_6 : vector<16xi1>, vector<16xi32>
    %parallel_loop3A = arith.constant 0 : i32
    %parallel_loop3A_7 = arith.constant 256 : i32
    %parallel_loop3A_8 = arith.constant 1 : i32
    scf.for %parallel_loop3A_13 = %parallel_loop3A to %parallel_loop3A_7 step %parallel_loop3A_8  : i32 {
      %parallel_loop3A_14 = arith.constant 2 : i32
      %parallel_loop3A_15 = arith.muli %parallel_loop3A_14, %parallel_loop3A_13 : i32
      %parallel_loop3A_16 = arith.index_cast %parallel_loop3A_15 : i32 to index
      %parallel_loop3A_17 = arith.constant 0 : index
      %parallel_loop3A_18 = tpu.vector_load %arg5[%parallel_loop3A_16, %parallel_loop3A_17] {strides = array<i32>} : memref<512x64xf32, #tpu.memory_space<vmem>>, vector<16xf32>,
      %parallel_loop3A_19 = arith.constant 0 : i32
      %parallel_loop3A_20 = vector.broadcast %parallel_loop3A_19 : i32 to vector<16xi32>
      %parallel_loop3A_21 = arith.addi %iota3A, %parallel_loop3A_20 : vector<16xi32>
      %parallel_loop3A_22 = arith.constant dense<true> : vector<16xi1>
      %parallel_loop3A_23, %parallel_loop3A_24, %parallel_loop3A_25 = tpu.sort %parallel_loop3A_18, %parallel_loop3A_21 masked %parallel_loop3A_22 {descending = true} : (vector<16xf32>, vector<16xi32>, vector<16xi1>) -> (vector<16xi1>, vector<16xf32>, vector<16xi32>)
      %parallel_loop3A_26 = arith.index_cast %parallel_loop3A_15 : i32 to index
      %parallel_loop3A_27 = arith.constant 16 : index
      %parallel_loop3A_28 = tpu.vector_load %arg5[%parallel_loop3A_26, %parallel_loop3A_27] {strides = array<i32>} : memref<512x64xf32, #tpu.memory_space<vmem>>, vector<16xf32>,
      %parallel_loop3A_29 = arith.constant 16 : i32
      %parallel_loop3A_30 = vector.broadcast %parallel_loop3A_29 : i32 to vector<16xi32>
      %parallel_loop3A_31 = arith.addi %iota3A, %parallel_loop3A_30 : vector<16xi32>
      %parallel_loop3A_32 = arith.constant dense<true> : vector<16xi1>
      %parallel_loop3A_33, %parallel_loop3A_34, %parallel_loop3A_35 = tpu.sort %parallel_loop3A_28, %parallel_loop3A_31 masked %parallel_loop3A_32 {descending = true} : (vector<16xf32>, vector<16xi32>, vector<16xi1>) -> (vector<16xi1>, vector<16xf32>, vector<16xi32>)
      %parallel_loop3A_36 = arith.index_cast %parallel_loop3A_15 : i32 to index
      %parallel_loop3A_37 = arith.constant 32 : index
      %parallel_loop3A_38 = tpu.vector_load %arg5[%parallel_loop3A_36, %parallel_loop3A_37] {strides = array<i32>} : memref<512x64xf32, #tpu.memory_space<vmem>>, vector<16xf32>,
      %parallel_loop3A_39 = arith.constant 32 : i32
      %parallel_loop3A_40 = vector.broadcast %parallel_loop3A_39 : i32 to vector<16xi32>
      %parallel_loop3A_41 = arith.addi %iota3A, %parallel_loop3A_40 : vector<16xi32>
      %parallel_loop3A_42 = arith.constant dense<true> : vector<16xi1>
      %parallel_loop3A_43, %parallel_loop3A_44, %parallel_loop3A_45 = tpu.sort %parallel_loop3A_38, %parallel_loop3A_41 masked %parallel_loop3A_42 {descending = true} : (vector<16xf32>, vector<16xi32>, vector<16xi1>) -> (vector<16xi1>, vector<16xf32>, vector<16xi32>)
      %parallel_loop3A_46 = arith.index_cast %parallel_loop3A_15 : i32 to index
      %parallel_loop3A_47 = arith.constant 48 : index
      %parallel_loop3A_48 = tpu.vector_load %arg5[%parallel_loop3A_46, %parallel_loop3A_47] {strides = array<i32>} : memref<512x64xf32, #tpu.memory_space<vmem>>, vector<16xf32>,
      %parallel_loop3A_49 = arith.constant 48 : i32
      %parallel_loop3A_50 = vector.broadcast %parallel_loop3A_49 : i32 to vector<16xi32>
      %parallel_loop3A_51 = arith.addi %iota3A, %parallel_loop3A_50 : vector<16xi32>
      %parallel_loop3A_52 = arith.constant dense<true> : vector<16xi1>
      %parallel_loop3A_53, %parallel_loop3A_54, %parallel_loop3A_55 = tpu.sort %parallel_loop3A_48, %parallel_loop3A_51 masked %parallel_loop3A_52 {descending = true} : (vector<16xf32>, vector<16xi32>, vector<16xi1>) -> (vector<16xi1>, vector<16xf32>, vector<16xi32>)
      %parallel_loop3A_56 = vector.shape_cast %select_n3A : vector<16xi32> to vector<16x1xi32>
      %parallel_loop3A_57 = vector.shape_cast %parallel_loop3A_56 : vector<16x1xi32> to vector<16xi32>
      %parallel_loop3A_58 = tpu.dynamic_gather %parallel_loop3A_34[%parallel_loop3A_57] in [0] : vector<16xf32>, vector<16xi32> -> vector<16xf32>
      %parallel_loop3A_59 = arith.select %lt3A_4, %parallel_loop3A_24, %parallel_loop3A_58 : vector<16xi1>, vector<16xf32>
      %parallel_loop3A_60 = vector.shape_cast %select_n3A : vector<16xi32> to vector<16x1xi32>
      %parallel_loop3A_61 = vector.shape_cast %parallel_loop3A_60 : vector<16x1xi32> to vector<16xi32>
      %parallel_loop3A_62 = tpu.dynamic_gather %parallel_loop3A_35[%parallel_loop3A_61] in [0] : vector<16xi32>, vector<16xi32> -> vector<16xi32>
      %parallel_loop3A_63 = arith.select %lt3A_4, %parallel_loop3A_25, %parallel_loop3A_62 : vector<16xi1>, vector<16xi32>
      %parallel_loop3A_64 = arith.constant dense<true> : vector<16xi1>
      %parallel_loop3A_65, %parallel_loop3A_66, %parallel_loop3A_67 = tpu.sort %parallel_loop3A_59, %parallel_loop3A_63 masked %parallel_loop3A_64 {descending = true} : (vector<16xf32>, vector<16xi32>, vector<16xi1>) -> (vector<16xi1>, vector<16xf32>, vector<16xi32>)
      %parallel_loop3A_68 = vector.shape_cast %select_n3A : vector<16xi32> to vector<16x1xi32>
      %parallel_loop3A_69 = vector.shape_cast %parallel_loop3A_68 : vector<16x1xi32> to vector<16xi32>
      %parallel_loop3A_70 = tpu.dynamic_gather %parallel_loop3A_54[%parallel_loop3A_69] in [0] : vector<16xf32>, vector<16xi32> -> vector<16xf32>
      %parallel_loop3A_71 = arith.select %lt3A_4, %parallel_loop3A_44, %parallel_loop3A_70 : vector<16xi1>, vector<16xf32>
      %parallel_loop3A_72 = vector.shape_cast %select_n3A : vector<16xi32> to vector<16x1xi32>
      %parallel_loop3A_73 = vector.shape_cast %parallel_loop3A_72 : vector<16x1xi32> to vector<16xi32>
      %parallel_loop3A_74 = tpu.dynamic_gather %parallel_loop3A_55[%parallel_loop3A_73] in [0] : vector<16xi32>, vector<16xi32> -> vector<16xi32>
      %parallel_loop3A_75 = arith.select %lt3A_4, %parallel_loop3A_45, %parallel_loop3A_74 : vector<16xi1>, vector<16xi32>
      %parallel_loop3A_76 = arith.constant dense<true> : vector<16xi1>
      %parallel_loop3A_77, %parallel_loop3A_78, %parallel_loop3A_79 = tpu.sort %parallel_loop3A_71, %parallel_loop3A_75 masked %parallel_loop3A_76 {descending = true} : (vector<16xf32>, vector<16xi32>, vector<16xi1>) -> (vector<16xi1>, vector<16xf32>, vector<16xi32>)
      %parallel_loop3A_80 = vector.shape_cast %select_n3A : vector<16xi32> to vector<16x1xi32>
      %parallel_loop3A_81 = vector.shape_cast %parallel_loop3A_80 : vector<16x1xi32> to vector<16xi32>
      %parallel_loop3A_82 = tpu.dynamic_gather %parallel_loop3A_78[%parallel_loop3A_81] in [0] : vector<16xf32>, vector<16xi32> -> vector<16xf32>
      %parallel_loop3A_83 = arith.select %lt3A_4, %parallel_loop3A_66, %parallel_loop3A_82 : vector<16xi1>, vector<16xf32>
      %parallel_loop3A_84 = vector.shape_cast %select_n3A : vector<16xi32> to vector<16x1xi32>
      %parallel_loop3A_85 = vector.shape_cast %parallel_loop3A_84 : vector<16x1xi32> to vector<16xi32>
      %parallel_loop3A_86 = tpu.dynamic_gather %parallel_loop3A_79[%parallel_loop3A_85] in [0] : vector<16xi32>, vector<16xi32> -> vector<16xi32>
      %parallel_loop3A_87 = arith.select %lt3A_4, %parallel_loop3A_67, %parallel_loop3A_86 : vector<16xi1>, vector<16xi32>
      %parallel_loop3A_88 = arith.constant dense<true> : vector<16xi1>
      %parallel_loop3A_89, %parallel_loop3A_90, %parallel_loop3A_91 = tpu.sort %parallel_loop3A_83, %parallel_loop3A_87 masked %parallel_loop3A_88 {descending = true} : (vector<16xf32>, vector<16xi32>, vector<16xi1>) -> (vector<16xi1>, vector<16xf32>, vector<16xi32>)
      %parallel_loop3A_92 = arith.constant 0.000000e+00 : f32
      %parallel_loop3A_93 = vector.broadcast %parallel_loop3A_92 : f32 to vector<16xf32>
      %parallel_loop3A_94 = arith.select %lt3A_4, %parallel_loop3A_90, %parallel_loop3A_93 : vector<16xi1>, vector<16xf32>
      %parallel_loop3A_95 = arith.constant true
      %parallel_loop3A_96 = vector.broadcast %parallel_loop3A_95 : i1 to vector<16xi1>
      %parallel_loop3A_97 = tpu.scan <sum>, %parallel_loop3A_94 masked %parallel_loop3A_96 : vector<16xf32>, vector<16xi1> -> vector<16xf32>
      %parallel_loop3A_98 = vector.extract %parallel_loop3A_97[15] : f32 from vector<16xf32>
      %parallel_loop3A_99 = vector.broadcast %parallel_loop3A_98 : f32 to vector<16xf32>
      %parallel_loop3A_100 = arith.divf %parallel_loop3A_90, %parallel_loop3A_99 : vector<16xf32>
      %parallel_loop3A_101 = arith.constant 2 : i32
      %parallel_loop3A_102 = arith.muli %parallel_loop3A_101, %parallel_loop3A_13 : i32
      %parallel_loop3A_103 = arith.constant 1 : i32
      %parallel_loop3A_104 = arith.addi %parallel_loop3A_102, %parallel_loop3A_103 : i32
      %parallel_loop3A_105 = arith.index_cast %parallel_loop3A_104 : i32 to index
      %parallel_loop3A_106 = arith.constant 0 : index
      %parallel_loop3A_107 = tpu.vector_load %arg5[%parallel_loop3A_105, %parallel_loop3A_106] {strides = array<i32>} : memref<512x64xf32, #tpu.memory_space<vmem>>, vector<16xf32>,
      %parallel_loop3A_108 = arith.constant 0 : i32
      %parallel_loop3A_109 = vector.broadcast %parallel_loop3A_108 : i32 to vector<16xi32>
      %parallel_loop3A_110 = arith.addi %iota3A, %parallel_loop3A_109 : vector<16xi32>
      %parallel_loop3A_111 = arith.constant dense<true> : vector<16xi1>
      %parallel_loop3A_112, %parallel_loop3A_113, %parallel_loop3A_114 = tpu.sort %parallel_loop3A_107, %parallel_loop3A_110 masked %parallel_loop3A_111 {descending = true} : (vector<16xf32>, vector<16xi32>, vector<16xi1>) -> (vector<16xi1>, vector<16xf32>, vector<16xi32>)
      %parallel_loop3A_115 = arith.index_cast %parallel_loop3A_104 : i32 to index
      %parallel_loop3A_116 = arith.constant 16 : index
      %parallel_loop3A_117 = tpu.vector_load %arg5[%parallel_loop3A_115, %parallel_loop3A_116] {strides = array<i32>} : memref<512x64xf32, #tpu.memory_space<vmem>>, vector<16xf32>,
      %parallel_loop3A_118 = arith.constant 16 : i32
      %parallel_loop3A_119 = vector.broadcast %parallel_loop3A_118 : i32 to vector<16xi32>
      %parallel_loop3A_120 = arith.addi %iota3A, %parallel_loop3A_119 : vector<16xi32>
      %parallel_loop3A_121 = arith.constant dense<true> : vector<16xi1>
      %parallel_loop3A_122, %parallel_loop3A_123, %parallel_loop3A_124 = tpu.sort %parallel_loop3A_117, %parallel_loop3A_120 masked %parallel_loop3A_121 {descending = true} : (vector<16xf32>, vector<16xi32>, vector<16xi1>) -> (vector<16xi1>, vector<16xf32>, vector<16xi32>)
      %parallel_loop3A_125 = arith.index_cast %parallel_loop3A_104 : i32 to index
      %parallel_loop3A_126 = arith.constant 32 : index
      %parallel_loop3A_127 = tpu.vector_load %arg5[%parallel_loop3A_125, %parallel_loop3A_126] {strides = array<i32>} : memref<512x64xf32, #tpu.memory_space<vmem>>, vector<16xf32>,
      %parallel_loop3A_128 = arith.constant 32 : i32
      %parallel_loop3A_129 = vector.broadcast %parallel_loop3A_128 : i32 to vector<16xi32>
      %parallel_loop3A_130 = arith.addi %iota3A, %parallel_loop3A_129 : vector<16xi32>
      %parallel_loop3A_131 = arith.constant dense<true> : vector<16xi1>
      %parallel_loop3A_132, %parallel_loop3A_133, %parallel_loop3A_134 = tpu.sort %parallel_loop3A_127, %parallel_loop3A_130 masked %parallel_loop3A_131 {descending = true} : (vector<16xf32>, vector<16xi32>, vector<16xi1>) -> (vector<16xi1>, vector<16xf32>, vector<16xi32>)
      %parallel_loop3A_135 = arith.index_cast %parallel_loop3A_104 : i32 to index
      %parallel_loop3A_136 = arith.constant 48 : index
      %parallel_loop3A_137 = tpu.vector_load %arg5[%parallel_loop3A_135, %parallel_loop3A_136] {strides = array<i32>} : memref<512x64xf32, #tpu.memory_space<vmem>>, vector<16xf32>,
      %parallel_loop3A_138 = arith.constant 48 : i32
      %parallel_loop3A_139 = vector.broadcast %parallel_loop3A_138 : i32 to vector<16xi32>
      %parallel_loop3A_140 = arith.addi %iota3A, %parallel_loop3A_139 : vector<16xi32>
      %parallel_loop3A_141 = arith.constant dense<true> : vector<16xi1>
      %parallel_loop3A_142, %parallel_loop3A_143, %parallel_loop3A_144 = tpu.sort %parallel_loop3A_137, %parallel_loop3A_140 masked %parallel_loop3A_141 {descending = true} : (vector<16xf32>, vector<16xi32>, vector<16xi1>) -> (vector<16xi1>, vector<16xf32>, vector<16xi32>)
      %parallel_loop3A_145 = vector.shape_cast %select_n3A : vector<16xi32> to vector<16x1xi32>
      %parallel_loop3A_146 = vector.shape_cast %parallel_loop3A_145 : vector<16x1xi32> to vector<16xi32>
      %parallel_loop3A_147 = tpu.dynamic_gather %parallel_loop3A_123[%parallel_loop3A_146] in [0] : vector<16xf32>, vector<16xi32> -> vector<16xf32>
      %parallel_loop3A_148 = arith.select %lt3A_4, %parallel_loop3A_113, %parallel_loop3A_147 : vector<16xi1>, vector<16xf32>
      %parallel_loop3A_149 = vector.shape_cast %select_n3A : vector<16xi32> to vector<16x1xi32>
      %parallel_loop3A_150 = vector.shape_cast %parallel_loop3A_149 : vector<16x1xi32> to vector<16xi32>
      %parallel_loop3A_151 = tpu.dynamic_gather %parallel_loop3A_124[%parallel_loop3A_150] in [0] : vector<16xi32>, vector<16xi32> -> vector<16xi32>
      %parallel_loop3A_152 = arith.select %lt3A_4, %parallel_loop3A_114, %parallel_loop3A_151 : vector<16xi1>, vector<16xi32>
      %parallel_loop3A_153 = arith.constant dense<true> : vector<16xi1>
      %parallel_loop3A_154, %parallel_loop3A_155, %parallel_loop3A_156 = tpu.sort %parallel_loop3A_148, %parallel_loop3A_152 masked %parallel_loop3A_153 {descending = true} : (vector<16xf32>, vector<16xi32>, vector<16xi1>) -> (vector<16xi1>, vector<16xf32>, vector<16xi32>)
      %parallel_loop3A_157 = vector.shape_cast %select_n3A : vector<16xi32> to vector<16x1xi32>
      %parallel_loop3A_158 = vector.shape_cast %parallel_loop3A_157 : vector<16x1xi32> to vector<16xi32>
      %parallel_loop3A_159 = tpu.dynamic_gather %parallel_loop3A_143[%parallel_loop3A_158] in [0] : vector<16xf32>, vector<16xi32> -> vector<16xf32>
      %parallel_loop3A_160 = arith.select %lt3A_4, %parallel_loop3A_133, %parallel_loop3A_159 : vector<16xi1>, vector<16xf32>
      %parallel_loop3A_161 = vector.shape_cast %select_n3A : vector<16xi32> to vector<16x1xi32>
      %parallel_loop3A_162 = vector.shape_cast %parallel_loop3A_161 : vector<16x1xi32> to vector<16xi32>
      %parallel_loop3A_163 = tpu.dynamic_gather %parallel_loop3A_144[%parallel_loop3A_162] in [0] : vector<16xi32>, vector<16xi32> -> vector<16xi32>
      %parallel_loop3A_164 = arith.select %lt3A_4, %parallel_loop3A_134, %parallel_loop3A_163 : vector<16xi1>, vector<16xi32>
      %parallel_loop3A_165 = arith.constant dense<true> : vector<16xi1>
      %parallel_loop3A_166, %parallel_loop3A_167, %parallel_loop3A_168 = tpu.sort %parallel_loop3A_160, %parallel_loop3A_164 masked %parallel_loop3A_165 {descending = true} : (vector<16xf32>, vector<16xi32>, vector<16xi1>) -> (vector<16xi1>, vector<16xf32>, vector<16xi32>)
      %parallel_loop3A_169 = vector.shape_cast %select_n3A : vector<16xi32> to vector<16x1xi32>
      %parallel_loop3A_170 = vector.shape_cast %parallel_loop3A_169 : vector<16x1xi32> to vector<16xi32>
      %parallel_loop3A_171 = tpu.dynamic_gather %parallel_loop3A_167[%parallel_loop3A_170] in [0] : vector<16xf32>, vector<16xi32> -> vector<16xf32>
      %parallel_loop3A_172 = arith.select %lt3A_4, %parallel_loop3A_155, %parallel_loop3A_171 : vector<16xi1>, vector<16xf32>
      %parallel_loop3A_173 = vector.shape_cast %select_n3A : vector<16xi32> to vector<16x1xi32>
      %parallel_loop3A_174 = vector.shape_cast %parallel_loop3A_173 : vector<16x1xi32> to vector<16xi32>
      %parallel_loop3A_175 = tpu.dynamic_gather %parallel_loop3A_168[%parallel_loop3A_174] in [0] : vector<16xi32>, vector<16xi32> -> vector<16xi32>
      %parallel_loop3A_176 = arith.select %lt3A_4, %parallel_loop3A_156, %parallel_loop3A_175 : vector<16xi1>, vector<16xi32>
      %parallel_loop3A_177 = arith.constant dense<true> : vector<16xi1>
      %parallel_loop3A_178, %parallel_loop3A_179, %parallel_loop3A_180 = tpu.sort %parallel_loop3A_172, %parallel_loop3A_176 masked %parallel_loop3A_177 {descending = true} : (vector<16xf32>, vector<16xi32>, vector<16xi1>) -> (vector<16xi1>, vector<16xf32>, vector<16xi32>)
      %parallel_loop3A_181 = arith.constant 0.000000e+00 : f32
      %parallel_loop3A_182 = vector.broadcast %parallel_loop3A_181 : f32 to vector<16xf32>
      %parallel_loop3A_183 = arith.select %lt3A_4, %parallel_loop3A_179, %parallel_loop3A_182 : vector<16xi1>, vector<16xf32>
      %parallel_loop3A_184 = arith.constant true
      %parallel_loop3A_185 = vector.broadcast %parallel_loop3A_184 : i1 to vector<16xi1>
      %parallel_loop3A_186 = tpu.scan <sum>, %parallel_loop3A_183 masked %parallel_loop3A_185 : vector<16xf32>, vector<16xi1> -> vector<16xf32>
      %parallel_loop3A_187 = vector.extract %parallel_loop3A_186[15] : f32 from vector<16xf32>
      %parallel_loop3A_188 = vector.broadcast %parallel_loop3A_187 : f32 to vector<16xf32>
      %parallel_loop3A_189 = arith.divf %parallel_loop3A_179, %parallel_loop3A_188 : vector<16xf32>
      %parallel_loop3A_190 = vector.shape_cast %select_n3A : vector<16xi32> to vector<16x1xi32>
      %parallel_loop3A_191 = vector.shape_cast %parallel_loop3A_190 : vector<16x1xi32> to vector<16xi32>
      %parallel_loop3A_192 = tpu.dynamic_gather %parallel_loop3A_189[%parallel_loop3A_191] in [0] : vector<16xf32>, vector<16xi32> -> vector<16xf32>
      %parallel_loop3A_193 = arith.select %lt3A_4, %parallel_loop3A_100, %parallel_loop3A_192 : vector<16xi1>, vector<16xf32>
      %parallel_loop3A_194 = arith.constant 16 : i32
      %parallel_loop3A_195 = arith.muli %parallel_loop3A_194, %parallel_loop3A_13 : i32
      %parallel_loop3A_196 = arith.index_cast %parallel_loop3A_195 : i32 to index
      %parallel_loop3A_197 = tpu.vector_load %arg6[%parallel_loop3A_196] {strides = array<i32>} : memref<4096xf32, #tpu.memory_space<vmem>>, vector<16xf32>,
      tpu.vector_store %arg6[%parallel_loop3A_196], %parallel_loop3A_193 {strides = array<i32>} : memref<4096xf32, #tpu.memory_space<vmem>>, vector<16xf32>,
      %parallel_loop3A_198 = vector.shape_cast %select_n3A : vector<16xi32> to vector<16x1xi32>
      %parallel_loop3A_199 = vector.shape_cast %parallel_loop3A_198 : vector<16x1xi32> to vector<16xi32>
      %parallel_loop3A_200 = tpu.dynamic_gather %parallel_loop3A_180[%parallel_loop3A_199] in [0] : vector<16xi32>, vector<16xi32> -> vector<16xi32>
      %parallel_loop3A_201 = arith.select %lt3A_4, %parallel_loop3A_91, %parallel_loop3A_200 : vector<16xi1>, vector<16xi32>
      %parallel_loop3A_202 = arith.constant 16 : i32
      %parallel_loop3A_203 = arith.muli %parallel_loop3A_202, %parallel_loop3A_13 : i32
      %parallel_loop3A_204 = arith.index_cast %parallel_loop3A_203 : i32 to index
      %parallel_loop3A_205 = tpu.vector_load %arg7[%parallel_loop3A_204] {strides = array<i32>} : memref<4096xi32, #tpu.memory_space<vmem>>, vector<16xi32>,
      tpu.vector_store %arg7[%parallel_loop3A_204], %parallel_loop3A_201 {strides = array<i32>} : memref<4096xi32, #tpu.memory_space<vmem>>, vector<16xi32>,
    } {sc.loop_unroll_factor = 8 : i64, sc.parallel_access}
    %mul3A_9 = arith.constant 8 : i32
    %mul3A_10 = arith.muli %mul3A_2, %mul3A_9 : i32
    "tpu.region"() ({
      %run_scoped3A = tpu.sem_alloc : memref<!tpu.dma_semaphore, #tpu.memory_space<semaphore_mem>>
      %dma_start3A = tpu.memref_slice %arg3[%mul3A_10] : memref<131072xf32, #tpu.memory_space<hbm>> -> memref<4096xf32, #tpu.memory_space<hbm>>
      %dma_start3A_13 = tpu.memref_slice %arg3[%mul3A_10] : memref<131072xf32, #tpu.memory_space<hbm>> -> memref<4096xf32, #tpu.memory_space<hbm>>
      tpu.enqueue_dma source(%arg6 : memref<4096xf32, #tpu.memory_space<vmem>>) target(%dma_start3A_13 : memref<4096xf32, #tpu.memory_space<hbm>>) target_semaphore(%run_scoped3A : memref<!tpu.dma_semaphore, #tpu.memory_space<semaphore_mem>>)
      %dma_wait3A = tpu.memref_slice %arg3[%mul3A_10] : memref<131072xf32, #tpu.memory_space<hbm>> -> memref<4096xf32, #tpu.memory_space<hbm>>
      %dma_wait3A_14 = tpu.memref_slice %arg3[%mul3A_10] : memref<131072xf32, #tpu.memory_space<hbm>> -> memref<4096xf32, #tpu.memory_space<hbm>>
      tpu.wait_dma2 semaphore(%run_scoped3A : memref<!tpu.dma_semaphore, #tpu.memory_space<semaphore_mem>>) src(%arg6 : memref<4096xf32, #tpu.memory_space<vmem>>) dst(%dma_wait3A_14 : memref<4096xf32, #tpu.memory_space<hbm>>)
      tpu.yield
    }) : () -> ()
    %mul3A_11 = arith.constant 8 : i32
    %mul3A_12 = arith.muli %mul3A_2, %mul3A_11 : i32
    "tpu.region"() ({
      %run_scoped3A = tpu.sem_alloc : memref<!tpu.dma_semaphore, #tpu.memory_space<semaphore_mem>>
      %dma_start3A = tpu.memref_slice %arg4[%mul3A_12] : memref<131072xi32, #tpu.memory_space<hbm>> -> memref<4096xi32, #tpu.memory_space<hbm>>
      %dma_start3A_13 = tpu.memref_slice %arg4[%mul3A_12] : memref<131072xi32, #tpu.memory_space<hbm>> -> memref<4096xi32, #tpu.memory_space<hbm>>
      tpu.enqueue_dma source(%arg7 : memref<4096xi32, #tpu.memory_space<vmem>>) target(%dma_start3A_13 : memref<4096xi32, #tpu.memory_space<hbm>>) target_semaphore(%run_scoped3A : memref<!tpu.dma_semaphore, #tpu.memory_space<semaphore_mem>>)
      %dma_wait3A = tpu.memref_slice %arg4[%mul3A_12] : memref<131072xi32, #tpu.memory_space<hbm>> -> memref<4096xi32, #tpu.memory_space<hbm>>
      %dma_wait3A_14 = tpu.memref_slice %arg4[%mul3A_12] : memref<131072xi32, #tpu.memory_space<hbm>> -> memref<4096xi32, #tpu.memory_space<hbm>>
      tpu.wait_dma2 semaphore(%run_scoped3A : memref<!tpu.dma_semaphore, #tpu.memory_space<semaphore_mem>>) src(%arg7 : memref<4096xi32, #tpu.memory_space<vmem>>) dst(%dma_wait3A_14 : memref<4096xi32, #tpu.memory_space<hbm>>)
      tpu.yield
    }) : () -> ()
    return
  }
}

module attributes {stable_mosaic.version = 14 : i64} {
  func.func @_matmul_body(%arg0: i32, %arg1: memref<512x4096xf32, #tpu.memory_space<vmem>>, %arg2: memref<4096x64xf32, #tpu.memory_space<vmem>>, %arg3: memref<1x64xf32, #tpu.memory_space<vmem>>, %arg4: memref<512x64xf32, #tpu.memory_space<vmem>>) attributes {dimension_semantics = [#tpu.dimension_semantics<arbitrary>], iteration_bounds = array<i64: 32>, scalar_prefetch = 0 : i64, scratch_operands = 0 : i64, tpu.core_type = #tpu.core_type<tc>, window_params = [{transform_indices = @transform_0, window_bounds = array<i64: 512, 4096>}, {pipeline_mode = #tpu.pipeline_mode<synchronous>, transform_indices = @transform_1, window_bounds = array<i64: 4096, 64>}, {pipeline_mode = #tpu.pipeline_mode<synchronous>, transform_indices = @transform_2, window_bounds = array<i64: 1, 64>}, {transform_indices = @transform_3, window_bounds = array<i64: 512, 64>}]} {
    %get3A = arith.constant 0 : index
    %get3A_0 = arith.constant 0 : index
    %get3A_1 = vector.load %arg1[%get3A, %get3A_0] : memref<512x4096xf32, #tpu.memory_space<vmem>>, vector<512x4096xf32>
    %get3A_2 = arith.constant 0 : index
    %get3A_3 = arith.constant 0 : index
    %get3A_4 = vector.load %arg2[%get3A_2, %get3A_3] : memref<4096x64xf32, #tpu.memory_space<vmem>>, vector<4096x64xf32>
    %dot_general3A = arith.constant dense<0.000000e+00> : vector<512x64xf32>
    %dot_general3A_5 = tpu.matmul %get3A_1, %get3A_4, %dot_general3A {dimension_numbers = #tpu.dot_dimension_numbers<[1], [0], [0], [1], [0, 0, 1, 1], [], []>, transpose_lhs_hint = false} : vector<512x4096xf32>, vector<4096x64xf32>, vector<512x64xf32> -> vector<512x64xf32>
    %get3A_6 = arith.constant 0 : index
    %get3A_7 = arith.constant 0 : index
    %get3A_8 = vector.load %arg3[%get3A_6, %get3A_7] : memref<1x64xf32, #tpu.memory_space<vmem>>, vector<1x64xf32>
    %add3A = vector.broadcast %get3A_8 : vector<1x64xf32> to vector<512x64xf32>
    %add3A_9 = arith.addf %dot_general3A_5, %add3A : vector<512x64xf32>
    %logistic3A = arith.negf %add3A_9 : vector<512x64xf32>
    %logistic3A_10 = math.exp %logistic3A : vector<512x64xf32>
    %logistic3A_11 = arith.constant 1.000000e+00 : f32
    %logistic3A_12 = vector.broadcast %logistic3A_11 : f32 to vector<512x64xf32>
    %logistic3A_13 = arith.addf %logistic3A_12, %logistic3A_10 : vector<512x64xf32>
    %logistic3A_14 = arith.divf %logistic3A_12, %logistic3A_13 : vector<512x64xf32>
    %swap3A = arith.constant 0 : index
    %swap3A_15 = arith.constant 0 : index
    %swap3A_16 = vector.load %arg4[%swap3A, %swap3A_15] : memref<512x64xf32, #tpu.memory_space<vmem>>, vector<512x64xf32>
    tpu.vector_store %arg4[%swap3A, %swap3A_15], %logistic3A_14 {strides = array<i32>} : memref<512x64xf32, #tpu.memory_space<vmem>>, vector<512x64xf32>,
    return
  }
  func.func @transform_0(%arg0: i32) -> (i32, i32) {
    %add3A = arith.constant 0 : i32
    %add3A_0 = arith.addi %arg0, %add3A : i32
    %c0_i32 = arith.constant 0 : i32
    %c0_i32_1 = arith.constant 0 : i32
    return %add3A_0, %c0_i32 : i32, i32
  }
  func.func @transform_1(%arg0: i32) -> (i32, i32) {
    %c0_i32 = arith.constant 0 : i32
    %c0_i32_0 = arith.constant 0 : i32
    %c0_i32_1 = arith.constant 0 : i32
    return %c0_i32, %c0_i32_0 : i32, i32
  }
  func.func @transform_2(%arg0: i32) -> (i32, i32) {
    %c0_i32 = arith.constant 0 : i32
    %c0_i32_0 = arith.constant 0 : i32
    %c0_i32_1 = arith.constant 0 : i32
    return %c0_i32, %c0_i32_0 : i32, i32
  }
  func.func @transform_3(%arg0: i32) -> (i32, i32) {
    %c0_i32 = arith.constant 0 : i32
    %c0_i32_0 = arith.constant 0 : i32
    return %arg0, %c0_i32 : i32, i32
  }
}

</mosaic_0001>

<sc_bundles>
// kernel: kernel.4.cloned.1.call-start
scs
__scs_entry_jumppad:
0x0: {  	(pc) =	sbr.rel $0x88, $3  }
0x1: {  	(tag) =	ssettag $0x0;
	lr =	simm.s32 $0x1  }
0x2: {  	[smem:$0x3F9E] =	sst lr;
	_ =	strace $0xD0000000  }
0x3: {  	_ = 	snop  }
0x4: {  	_ = 	snop  }
0x5: {  	_ = 	snop  }
0x6: {  	_ = 	snop  }
0x7: {  	_ = 	snop  }
__scs_overlays_trampoline_lowered:
0x8: {  	[smem:$0x3FAD] =	sst s0  }
0x9: {  	[smem:$0x3FAE] =	sst s1  }
0xa: {  	[smem:$0x3FAF] =	sst s2  }
0xb: {  	[smem:$0x3FB0] =	sst s3  }
0xc: {  	[smem:$0x3FB1] =	sst s4  }
0xd: {  	[smem:$0x3FB2] =	sst s5  }
0xe: {  	[smem:$0x3FB3] =	sst s6  }
0xf: {  	[smem:$0x3FB4] =	sst s7  }
0x10: {  	[smem:$0x3FB5] =	sst s8  }
0x11: {  	[smem:$0x3FB6] =	sst s9;
	s0 =	simm.s32 @!p0 $0x0  }
0x12: {  	s1 =	sld [smem:$0x3F9C];
	s0 =	simm.s32 @p0 $0x1  }
0x13: {  	[smem:$0x3FB7] =	sst s0;
	s0 =	simm.s32 @!p1 $0x0  }
0x14: {  	s2 =	sld [smem:$0x3F9B];
	s0 =	simm.s32 @p1 $0x1  }
0x15: {  	[smem:$0x3FB8] =	sst s0;
	s0 =	simm.s32 @!p2 $0x0  }
0x16: {  	s3 =	sld [smem:$0x3FDB];
	s0 =	simm.s32 @p2 $0x1  }
0x17: {  	s4 =	simm.s32 $0x1BF5;
	[smem:$0x3FBA] =	sst s0  }
0x18: {  	s0 =	sld [smem:$0x3F9D];
	_ =	swait.ge [sflag:s4], $0x0  }
0x19: {  	s7 =	sld [smem:$0x3F9E]  }
0x1a: {  	s8 =	sadd.s32 $0xFFFFE003, lr  }
0x1b: {  	s9 =	sadd.s32 $0xFFFFFEF7, lr;
	s5 =	simm.s32 $0xFFFFFFFF;
	p2 =	slt.u32 s8, $0xFFFFF086  }
0x1c: {  	p1 =	slt.u32 s9, $0xF7A;
	s5 =	simm.s32 @!p2 $0x0  }
0x1d: {  	s5 =	simm.s32 @p1 $0x1;
	p0 =	seq.s32 s7, s2  }
0x1e: {  	s7 =	smul.u32 @!p0 $0xF7A, s2;
	p2 =	seq.s32 @!p0 s5, $0x0  }
0x1f: {  	s9 =	smul.u32 $0xF7A, s1;
	s8 =	simm.s32 @!p0 $0x1BF5;
	p2 =	por !p2, p0  }
0x20: {  	[sflag:s8] =	ssyncset.s32 @!p0 $0xFFFFF086;
	s6 =	sadd.s32 @!p0 s3, s7;
	s7 =	simm.s32 @!p0 $0x108  }
0x21: {  	s3 =	sadd.s32 s3, s9;
	s6 =	sadd.s32 @!p0 $0x88, s6;
	s7 =	simm.s32 @p2 $0x1082  }
0x22: {  	[simem:s7], [sflag:s8] =	dma.local @!p0 [hbm:s6], $0xF7A  }
0x23: {  	s9 =	sor.u32 $0xD0000000, s2;
	s6 =	simm.s32 $0x108;
	_ =	swait.ge @!p0 [sflag:s8], $0x0  }
0x24: {  	s3 =	sadd.s32 $0x88, s3;
	s6 =	simm.s32 @!p1 $0x1082;
	[sflag:s4] =	ssyncset.s32 $0xFFFFF086  }
0x25: {  	[simem:s6], [sflag:s4] =	dma.local [hbm:s3], $0xF7A  }
0x26: {  	[smem:$0x3F9E] =	sst s1;
	(tag) =	ssettag s2;
	_ =	strace s9  }
0x27: {  	s1 =	sld [smem:$0x3FAE]  }
0x28: {  	s2 =	sld [smem:$0x3FAF]  }
0x29: {  	s4 =	sld [smem:$0x3FB1]  }
0x2a: {  	p0 =	seq.s32 s5, $0x0;
	s5 =	sld [smem:$0x3FB2]  }
0x2b: {  	s6 =	sld [smem:$0x3FB3]  }
0x2c: {  	s7 =	sld [smem:$0x3FB4]  }
0x2d: {  	s3 =	simm.s32 $0x108;
	s8 =	sld [smem:$0x3FB5]  }
0x2e: {  	s3 =	simm.s32 @!p0 $0x1082;
	s9 =	sld [smem:$0x3FB6]  }
0x2f: {  	lr =	sadd.s32 s0, s3;
	s0 =	sld [smem:$0x3FAD]  }
0x30: {  	s3 =	sld [smem:$0x3FB0]  }
0x31: {  	[smem:$0x3FB9] =	sst s10  }
0x32: {  	s10 =	sld [smem:$0x3FB7];
	_ =	sdelay $0x3  }
0x33: {  	p0 =	seq.s32 s10, $0x1;
	s10 =	sld [smem:$0x3FB9];
	_ =	sdelay $0x3  }
0x34: {  	[smem:$0x3FB9] =	sst s10  }
0x35: {  	s10 =	sld [smem:$0x3FB8];
	_ =	sdelay $0x3  }
0x36: {  	p1 =	seq.s32 s10, $0x1;
	s10 =	sld [smem:$0x3FB9];
	_ =	sdelay $0x3  }
0x37: {  	[smem:$0x3FB9] =	sst s10  }
0x38: {  	s10 =	sld [smem:$0x3FBA]  }
0x39: {  	_ = 	snop;
	(pc) =	sbr.ind lr, $3  }
0x3a: {  	_ = 	snop  }
0x3b: {  	_ = 	snop  }
0x3c: {  	p2 =	seq.s32 s10, $0x1;
	s10 =	sld [smem:$0x3FB9]  }
0x3d: {  	_ =	shalt  }
0x3e: {  	_ =	shalt  }
0x3f: {  	_ =	shalt  }
0x40: {  	_ =	shalt  }
0x41: {  	_ =	shalt  }
0x42: {  	_ =	shalt  }
0x43: {  	_ =	shalt  }
0x44: {  	_ =	shalt  }
0x45: {  	_ =	shalt  }
0x46: {  	_ =	shalt  }
0x47: {  	_ =	shalt  }
0x48: {  	_ =	shalt  }
0x49: {  	_ =	shalt  }
0x4a: {  	_ =	shalt  }
0x4b: {  	_ =	shalt  }
0x4c: {  	_ =	shalt  }
0x4d: {  	_ =	shalt  }
0x4e: {  	_ =	shalt  }
0x4f: {  	_ =	shalt  }
0x50: {  	_ =	shalt  }
0x51: {  	_ =	shalt  }
0x52: {  	_ =	shalt  }
0x53: {  	_ =	shalt  }
0x54: {  	_ =	shalt  }
0x55: {  	_ =	shalt  }
0x56: {  	_ =	shalt  }
0x57: {  	_ =	shalt  }
0x58: {  	_ =	shalt  }
0x59: {  	_ =	shalt  }
0x5a: {  	_ =	shalt  }
0x5b: {  	_ =	shalt  }
0x5c: {  	_ =	shalt  }
0x5d: {  	_ =	shalt  }
0x5e: {  	_ =	shalt  }
0x5f: {  	_ =	shalt  }
0x60: {  	_ =	shalt  }
0x61: {  	_ =	shalt  }
0x62: {  	_ =	shalt  }
0x63: {  	_ =	shalt  }
0x64: {  	_ =	shalt  }
0x65: {  	_ =	shalt  }
0x66: {  	_ =	shalt  }
0x67: {  	_ =	shalt  }
0x68: {  	_ =	shalt  }
0x69: {  	_ =	shalt  }
0x6a: {  	_ =	shalt  }
0x6b: {  	_ =	shalt  }
0x6c: {  	_ =	shalt  }
0x6d: {  	_ =	shalt  }
0x6e: {  	_ =	shalt  }
0x6f: {  	_ =	shalt  }
0x70: {  	_ =	shalt  }
0x71: {  	_ =	shalt  }
0x72: {  	_ =	shalt  }
0x73: {  	_ =	shalt  }
0x74: {  	_ =	shalt  }
0x75: {  	_ =	shalt  }
0x76: {  	_ =	shalt  }
0x77: {  	_ =	shalt  }
0x78: {  	_ =	shalt  }
0x79: {  	_ =	shalt  }
0x7a: {  	_ =	shalt  }
0x7b: {  	_ =	shalt  }
0x7c: {  	_ =	shalt  }
0x7d: {  	_ =	shalt  }
0x7e: {  	_ =	shalt  }
0x7f: {  	_ =	shalt  }
0x80: {  	_ =	shalt  }
0x81: {  	_ =	shalt  }
0x82: {  	_ =	shalt  }
0x83: {  	_ =	shalt  }
0x84: {  	_ =	shalt  }
0x85: {  	_ =	shalt  }
0x86: {  	_ =	shalt  }
0x87: {  	_ =	shalt  }
.Lfunc_end0:
.L_simem_size_0:
called_computation_lowered:
.L_overlay_start_0:
0x88: {  	s2 =	sld [smem:$0x3FD9]  }
0x89: {  	s3 =	sld [smem:$0x3FFE];
	_ =	sdelay $0x1  }
0x8a: {  	s1 =	srdreg.scid  }
0x8b: {  	s0 =	sand.u32 $0x1, s1  }
0x8c: {  	s14 =	sshll.u32 s0, $0xA;
	s2 =	sadd.s32 s3, s2  }
0x8d: {  	s2 =	sadd.s32 s2, s14  }
0x8e: {  	[smem:$0x3FC5] =	sst s2  }
0x8f: {  	_ = 	snop  }
0x90: {  	s2 =	sld [smem:$0x3FD0];
	_ =	sdelay $0x2  }
0x91: {  	s15 =	simm.s32 $0xA;
	s4 =	simm.s32 $0x10  }
0x92: {  	[smem:s4], [sflag:s15] =	dma.local [hbm:s2], $0x1  }
0x93: {  	_ =	swait.eq [sflag:s15], $0x1  }
0x94: {  	[sflag:s15] =	ssyncset.done $0x0  }
0x95: {  	[sflag:s15] =	ssyncadd.s32 $0xFFFFFFFF  }
0x96: {  	s16 =	sld [smem:$0x11];
	(tm) =	ssettm $0x1  }
0x97: {  	s17 =	sld [smem:$0x3FFB];
	_ =	sdelay $0x3  }
0x98: {  	_ =	strace s17  }
0x99: {  	s3 =	sld [smem:$0x3FFC];
	_ =	sdelay $0x3  }
0x9a: {  	_ =	strace s3  }
0x9b: {  	s3 =	sld [smem:$0x3FFD];
	_ =	sdelay $0x3  }
0x9c: {  	_ =	strace s3  }
0x9d: {  	_ =	strace $0x8FFFFFFF  }
0x9e: {  	s18 =	sld [smem:$0x3FDB];
	_ =	sdelay $0x1  }
0x9f: {  	s19 =	simm.s32 $_scs_section_size  }
0xa0: {  	s5 =	simm.s32 $_size__tile_overlayer_lowered;
	s6 =	simm.s32 $_tile_overlayer_lowered  }
0xa1: {  	s22 =	simm.s32 $0x1BFF;
	s21 =	sshll.u32 s6, $0x1;
	s3 =	sadd.s32 s19, s18  }
0xa2: {  	s7 =	simm.s32 $0x0;
	s20 =	sshll.u32 s5, $0x1;
	s5 =	sadd.s32 s21, s3  }
0xa3: {  	[timem:s7], [sflag:s22] =	dma.local [hbm:s5], s20  }
0xa4: {  	_ =	swait.ge [sflag:s22], s20  }
0xa5: {  	s4 =	ssub.s32 $0x0, s20;
	[sflag:s22] =	ssyncset.done $0x0  }
0xa6: {  	[sflag:s22] =	ssyncadd.s32 s4;
	_ =	sdelay $0x1  }
0xa7: {  	s23 =	simm.s32 $0x1B8B  }
0xa8: {  	_ =	swait.ge [sflag:s23], $0x1  }
0xa9: {  	[sflag:s23] =	ssyncset.done $0x0  }
0xaa: {  	s25 =	simm.s32 $0x1B8E;
	s24 =	sld [smem:$0x3FFE];
	[sflag:s23] =	ssyncadd.s32 $0xFFFFFFFF  }
0xab: {  	s26 =	simm.s32 $execute0_lowered;
	[smem:$0x3FD2] =	sst s25  }
0xac: {  	s5 =	sshll.u32 s26, $0x1;
	_ =	strace $0x80000046;
	[dreg:$0x1] =	wrdreg $0xFFFFFFFF  }
0xad: {  	s28 =	simm.s32 $_size_execute0_lowered;
	s3 =	sadd.s32 s3, s5;
	[dreg:$0x0] =	wrdreg $0x0  }
0xae: {  	s5 =	sshll.u32 s28, $0x1;
	[dreg:$0x2] =	wrdreg s3  }
0xaf: {  	[dreg:$0x3] =	wrdreg s5  }
0xb0: {  	[dreg:$0x4] =	wrdreg $0xC0  }
0xb1: {  	_ =	task [dreg:s7], $0x5FFFF  }
0xb2: {  	[dreg:$0x1] =	wrdreg $0xFFFFFFFF  }
0xb3: {  	[dreg:$0x0] =	wrdreg $0x60  }
0xb4: {  	[dreg:$0x2] =	wrdreg s24  }
0xb5: {  	[dreg:$0x3] =	wrdreg s16  }
0xb6: {  	[dreg:$0x4] =	wrdreg $0x9  }
0xb7: {  	_ =	task.clear_ibuf [dreg:s7], $0x5FFFF;
	_ =	strace $0x90000046  }
0xb8: {  	s29 =	simm.s32 $0x9;
	_ =	strace $0x80000048  }
0xb9: {  	_ =	swait.ge [sflag:s29], $0x1  }
0xba: {  	[sflag:s29] =	ssyncadd.s32 $0xFFFFFFFF  }
0xbb: {  	_ =	strace $0x90000048  }
0xbc: {  	_ =	sfence  }
0xbd: {  	s30 =	sld [smem:$0x0];
	_ =	sdelay $0x2  }
0xbe: {  	s31 =	sshll.u32 s1, $0xD;
	s1 =	sshrl.u32 s1, $0x2  }
0xbf: {  	s3 =	sand.u32 $0x4000, s31;
	s1 =	sadd.s32 s1, s30  }
0xc0: {  	s0 =	sor.u32 s3, s0;
	s1 =	sshll.u32 s1, $0x11  }
0xc1: {  	s0 =	sor.u32 s1, s0  }
0xc2: {  	s0 =	sadd.s32 $0x8F2B, s0  }
0xc3: {  	[sflag:s0] =	ssyncadd.remote.s32 $0x1  }
0xc4: {  	_ =	sfence.sel $0xFFFF  }
0xc5: {  	[dreg:$0x0] =	wrdreg $0xFFFFFFFF;
	(pc) =	sbr.abs _section_cstart, $3  }
0xc6: {  	[dreg:$0x1] =	wrdreg $0xFFFFFFFF  }
0xc7: {  	_ =	task.clear_ibuf [dreg:s7], $0x2FFFF;
	_ =	strace $0x9FFFFFFF  }
0xc8: {  	(tm) =	ssettm $0x7FFFFFFF  }
0xc9: {  	_ =	shalt  }
tec
execute0_lowered:
.L_overlay_start_1:
0x0: {  	(tag) =	ssettag $0x1  }
0x1: {  	s3 =	rddreg [dreg:$0x0]  }
0x2: {  	s4 =	rddreg [dreg:$0x1]  }
0x3: {  	s0 =	rddreg [dreg:$0x2]  }
0x4: {  	s5 =	srdreg.scid;
	s1 =	stileid.u32  }
0x5: {  	s2 =	simm.s32 $0x0;
	s5 =	sand.u32 $0x1, s5;
	s6 =	sshll.u32 s1, $0x1  }
0x6: {  	s10 =	simm.s32 $0x0;
	[smem:$0x7FF] =	sst s2;
	s6 =	sor.u32 s5, s6  }
0x7: {  	_ =	strace $0x80000047;
	s5 =	ssub.s32 $0x2, s5;
	s7 =	sshll.u32 s6, $0xD  }
0x8: {  	v0 =	vlaneseq.u32;
	s6 =	sshll.u32 s6, $0x9;
	s31 =	sshrl.u32 s5, $0x1;
	s7 =	sadd.s32 s7, s3  }
0x9: {  	v1 =	vor.u32 $0x10, v0;
	s8 =	sadd.s32 s6, s3;
	s9 =	ssub.s32 s5, s31;
	s4 =	sadd.s32 s4, s6  }
0xa: {  	v2 =	vor.u32 $0x20, v0;
	[tilespmem:$0x1FFE0] =	vst v1;
	s3 =	sadd.s32 $0x1000, s7;
	s5 =	sadd.s32 $0x41000, s8;
	s6 =	smax.u32 s9, $0x1  }
0xb: {  	vm0 =	vmmov $0xff;
	v3 =	vor.u32 $0x30, v0;
	v4 =	vand.u32 $0x7, v0;
	[tilespmem:$0x1FFF0] =	vst v2;
	s7 =	simm.s32 $0x1;
	s8 =	simm.s32 $0x10000;
	s9 =	simm.s32 $0x11000  }
.LBB2_1:
0xc: {  	[tilespmem:s2], [sflag:$0x1] =	stream.linear.gather [hbm4b:s3+s2], $0x10000, $0x38;
	[tilespmem:$0x12000] =	vst v63  }
0xd: {  	_ =	swait.ge [sflag:s7], $0x10000  }
0xe: {  	[sflag:s7] =	ssyncset.done $0x0  }
0xf: {  	s11 =	simm.s32 $0x400;
	[sflag:s7] =	ssyncadd.s32 $0xFFFF0000  }
0x10: {  	v5 =	vld [tilespmem:s11+$0x310]  }
0x11: {  	v6 =	vld [tilespmem:s11+$0x330]  }
0x12: {  	v7 =	vld [tilespmem:s11+$0x320]  }
0x13: {  	v8 =	vld [tilespmem:s11+$0x390]  }
0x14: {  	v9 =	vld [tilespmem:s11+$0x3B0]  }
0x15: {  	v10 =	vld [tilespmem:s11+$0x300];
	(xrf1) =	vsort.dscd.msk.f32 $0xffff, v5, v1  }
0x16: {  	v5 =	vld [tilespmem:s11+$0x3A0];
	(xrf1) =	vsort.dscd.msk.f32 $0xffff, v6, v3  }
0x17: {  	v6 =	vld [tilespmem:s11+$0xFFFFFCB0];
	(xrf1) =	vsort.dscd.msk.f32 $0xffff, v7, v2  }
0x18: {  	v7 =	vld [tilespmem:s11+$0x380];
	(xrf1) =	vsort.dscd.msk.f32 $0xffff, v8, v1  }
0x19: {  	v8 =	vld [tilespmem:s11+$0xFFFFFDB0];
	(xrf1) =	vsort.dscd.msk.f32 $0xffff, v9, v3  }
0x1a: {  	v9 =	vld [tilespmem:s11+$0xFFFFFEB0];
	(xrf1) =	vsort.dscd.msk.f32 $0xffff, v10, v0  }
0x1b: {  	v10 =	vld [tilespmem:s11+$0xFFFFFFB0];
	(xrf1) =	vsort.dscd.msk.f32 $0xffff, v5, v2  }
0x1c: {  	v5 =	vld [tilespmem:s11+$0xB0];
	(xrf1) =	vsort.dscd.msk.f32 $0xffff, v6, v3  }
0x1d: {  	v6 =	vld [tilespmem:s11+$0x1B0];
	(xrf1) =	vsort.dscd.msk.f32 $0xffff, v7, v0  }
0x1e: {  	v7 =	vld [tilespmem:s11+$0x2B0];
	(xrf1) =	vsort.dscd.msk.f32 $0xffff, v8, v3  }
0x1f: {  	v8 =	vld [tilespmem:s11+$0xFFFFFC30];
	(xrf1) =	vsort.dscd.msk.f32 $0xffff, v9, v3  }
0x20: {  	v9 =	vld [tilespmem:s11+$0xFFFFFC90];
	(xrf1) =	vsort.dscd.msk.f32 $0xffff, v10, v3  }
0x21: {  	v10 =	vld [tilespmem:s11+$0xFFFFFCA0];
	(xrf1) =	vsort.dscd.msk.f32 $0xffff, v5, v3  }
0x22: {  	(xrf1) =	vsort.dscd.msk.f32 $0xffff, v6, v3  }
0x23: {  	(xrf1) =	vsort.dscd.msk.f32 $0xffff, v7, v3;
	v5, v6, _ =	vpop (xrf1)  }
0x24: {  	(xrf1) =	vsort.dscd.msk.f32 $0xffff, v8, v3;
	v7, v8, _ =	vpop (xrf1)  }
0x25: {  	v7 =	vperm.xlane v7, v4;
	v8 =	vperm.xlane v8, v4;
	(xrf1) =	vsort.dscd.msk.f32 $0xffff, v9, v1;
	v9, v11, _ =	vpop (xrf1)  }
0x26: {  	v6 =	vperm.xlane v6, v4;
	(xrf1) =	vsort.dscd.msk.f32 $0xffff, v10, v2;
	v10, v12, _ =	vpop (xrf1)  }
0x27: {  	v7 =	vsel vm0, v9, v7;
	v8 =	vsel vm0, v11, v8;
	v9 =	vperm.xlane v10, v4;
	v10, v11, _ =	vpop (xrf1)  }
0x28: {  	v5 =	vperm.xlane v5, v4;
	v14, v15, _ =	vpop (xrf1)  }
0x29: {  	v13 =	vld [tilespmem:s11+$0xFFFFFD30];
	v10 =	vperm.xlane v10, v4;
	v11 =	vperm.xlane v11, v4;
	v6 =	vsel vm0, v15, v6  }
0x2a: {  	(xrf1) =	vsort.dscd.msk.f32 $0xffff, v7, v8;
	v8 =	vperm.xlane v12, v4;
	v5 =	vsel vm0, v14, v5;
	v12, v14, _ =	vpop (xrf1)  }
0x2b: {  	v7 =	vld [tilespmem:s11+$0xFFFFFD90];
	v10 =	vsel vm0, v12, v10;
	v11 =	vsel vm0, v14, v11;
	v12, v14, _ =	vpop (xrf1)  }
0x2c: {  	v15 =	vld [tilespmem:s11+$0xFFFFFDA0];
	(xrf1) =	vsort.dscd.msk.f32 $0xffff, v5, v6;
	v6, v16, _ =	vpop (xrf1)  }
0x2d: {  	v5 =	vld [tilespmem:s11+$0xFFFFFE30];
	(xrf1) =	vsort.dscd.msk.f32 $0xffff, v10, v11;
	v8 =	vsel vm0, v16, v8  }
0x2e: {  	v10 =	vld [tilespmem:s11+$0xFFFFFE90];
	v6 =	vsel vm0, v6, v9;
	(xrf1) =	vsort.dscd.msk.f32 $0xffff, v13, v3  }
0x2f: {  	v9 =	vld [tilespmem:s11+$0xFFFFFEA0];
	v11, v13, _ =	vpop (xrf1);
	(xrf1) =	vsort.dscd.msk.f32 $0xffff, v6, v8  }
0x30: {  	v6 =	vld [tilespmem:s11+$0xFFFFFF30];
	(xrf1) =	vsort.dscd.msk.f32 $0xffff, v7, v1;
	v8, v16, _ =	vpop (xrf1)  }
0x31: {  	v7 =	vld [tilespmem:s11+$0xFFFFFF90];
	(xrf1) =	vsort.dscd.msk.f32 $0xffff, v15, v2;
	v17, v18, _ =	vpop (xrf1)  }
0x32: {  	v15 =	vld [tilespmem:s11+$0xFFFFFFA0];
	(xrf1) =	vsort.dscd.msk.f32 $0xffff, v5, v3;
	v20, v21, _ =	vpop (xrf1)  }
0x33: {  	v5 =	vld [tilespmem:s11+$0x30];
	(xrf1) =	vsort.dscd.msk.f32 $0xffff, v10, v1;
	v22, v23, _ =	vpop (xrf1)  }
0x34: {  	v10 =	vld [tilespmem:s11+$0x90];
	(xrf1) =	vsort.dscd.msk.f32 $0xffff, v9, v2;
	v24, v25, _ =	vpop (xrf1)  }
0x35: {  	v9 =	vld [tilespmem:s11+$0xA0];
	(xrf1) =	vsort.dscd.msk.f32 $0xffff, v6, v3;
	v26, v27, _ =	vpop (xrf1)  }
0x36: {  	v6 =	vld [tilespmem:s11+$0x130];
	(xrf1) =	vsort.dscd.msk.f32 $0xffff, v7, v1;
	v28, v29, _ =	vpop (xrf1)  }
0x37: {  	(xrf1) =	vsort.dscd.msk.f32 $0xffff, v15, v2;
	v30, v31, _ =	vpop (xrf1)  }
0x38: {  	(xrf1) =	vsort.dscd.msk.f32 $0xffff, v5, v3;
	v5, v15, _ =	vpop (xrf1)  }
0x39: {  	(xrf1) =	vsort.dscd.msk.f32 $0xffff, v10, v1;
	v5 =	vperm.xlane v5, v4;
	v15 =	vperm.xlane v15, v4  }
0x3a: {  	(xrf1) =	vsort.dscd.msk.f32 $0xffff, v9, v2;
	v9, v10, _ =	vpop (xrf1)  }
0x3b: {  	v7 =	vld [tilespmem:s11+$0x190];
	(xrf1) =	vsort.dscd.msk.f32 $0xffff, v6, v3;
	v5 =	vsel vm0, v9, v5;
	v9 =	vsel vm0, v10, v15;
	v6, v10, _ =	vpop (xrf1)  }
0x3c: {  	v10 =	vperm.xlane v10, v4  }
0x3d: {  	v19 =	vld [tilespmem:s11+$0x1A0];
	_ =	sdelay $0x1  }
0x3e: {  	v6 =	vperm.xlane v6, v4;
	v32, v33, _ =	vpop (xrf1);
	(xrf1) =	vsort.dscd.msk.f32 $0xffff, v5, v9  }
0x3f: {  	v5 =	vld [tilespmem:s11+$0x230];
	(xrf1) =	vsort.dscd.msk.f32 $0xffff, v7, v1;
	v7, v9, _ =	vpop (xrf1)  }
0x40: {  	v15 =	vld [tilespmem:s11+$0x290];
	v6 =	vsel vm0, v7, v6;
	v7 =	vsel vm0, v9, v10;
	v9, v10, _ =	vpop (xrf1)  }
0x41: {  	(xrf1) =	vsort.dscd.msk.f32 $0xffff, v19, v2;
	v19 =	vld [tilespmem:s11+$0x2A0];
	v34, v35, _ =	vpop (xrf1)  }
0x42: {  	v36, v37, _ =	vpop (xrf1)  }
0x43: {  	(xrf1) =	vsort.dscd.msk.f32 $0xffff, v6, v7;
	v38, v39, _ =	vpop (xrf1)  }
0x44: {  	v6 =	vld [tilespmem:s11+$0xFFFFFC10];
	(xrf1) =	vsort.dscd.msk.f32 $0xffff, v5, v3;
	v41, v42, _ =	vpop (xrf1)  }
0x45: {  	v7 =	vld [tilespmem:s11+$0xFFFFFC20];
	(xrf1) =	vsort.dscd.msk.f32 $0xffff, v15, v1;
	v43, v44, _ =	vpop (xrf1)  }
0x46: {  	v40 =	vld [tilespmem:s11+$0xFFFFFC80];
	(xrf1) =	vsort.dscd.msk.f32 $0xffff, v19, v2;
	v19, v15, _ =	vpop (xrf1)  }
0x47: {  	v5 =	vld [tilespmem:s11+$0xFFFFFD10];
	v49, v50, _ =	vpop (xrf1)  }
0x48: {  	v45 =	vld [tilespmem:s11+$0xFFFFFD20];
	v46 =	vperm.xlane v12, v4;
	v54, v12, _ =	vpop (xrf1)  }
0x49: {  	v48 =	vld [tilespmem:s11+$0xFFFFFD80];
	v47 =	vperm.xlane v14, v4;
	v52 =	vperm.xlane v13, v4;
	(xrf1) =	vsort.dscd.msk.f32 $0xffff, v6, v1;
	v14, v13, _ =	vpop (xrf1)  }
0x4a: {  	v53 =	vld [tilespmem:s11+$0xFFFFFE10];
	v0 =	vlaneseq.u32;
	v51 =	vperm.xlane v11, v4;
	v55 =	vperm.xlane v8, v4;
	(xrf1) =	vsort.dscd.msk.f32 $0xffff, v7, v2;
	v58, v59, _ =	vpop (xrf1)  }
0x4b: {  	v56 =	vperm.xlane v16, v4;
	v57 =	vperm.xlane v18, v4;
	v7 =	vld [tilespmem:s11+$0xFFFFFE20];
	(xrf1) =	vsort.dscd.msk.f32 $0xffff, v40, v0;
	v18, v11, _ =	vpop (xrf1)  }
0x4c: {  	v20 =	vperm.xlane v20, v4;
	v21 =	vperm.xlane v21, v4;
	(xrf1) =	vsort.dscd.msk.f32 $0xffff, v5, v1;
	v6, v5, _ =	vpop (xrf1)  }
0x4d: {  	v60 =	vld [tilespmem:s11+$0xFFFFFE80];
	v22 =	vperm.xlane v22, v4;
	v23 =	vperm.xlane v23, v4;
	(xrf1) =	vsort.dscd.msk.f32 $0xffff, v45, v2;
	[tilespmem:$0x1FFC0] =	vst v6  }
0x4e: {  	v24 =	vperm.xlane v24, v4;
	(xrf1) =	vsort.dscd.msk.f32 $0xffff, v48, v0;
	[tilespmem:$0x1FFD0] =	vst v5;
	v8 =	vnsel vm0, $0x0, v6  }
0x4f: {  	v25 =	vperm.xlane v25, v4;
	v40 =	vperm.xlane v17, v4;
	(xrf1) =	vsort.dscd.msk.f32 $0xffff, v53, v1;
	v17, v16, _ =	vpop (xrf1);
	v45 =	vld [tilespmem:s11+$0xFFFFFF10]  }
0x50: {  	v26 =	vperm.xlane v26, v4;
	v27 =	vperm.xlane v27, v4;
	(xrf1) =	vsort.dscd.msk.f32 $0xffff, v7, v2;
	v48 =	vld [tilespmem:s11+$0xFFFFFF20];
	v53, v61, _ =	vpop (xrf1)  }
0x51: {  	v28 =	vperm.xlane v28, v4;
	v29 =	vperm.xlane v29, v4;
	v30 =	vsel vm0, v30, v46;
	(xrf2) =	vadd.scan.msk.f32 $0xffff, v8;
	v62 =	vld [tilespmem:s11+$0xFFFFFF80];
	v8, v7, _ =	vpop (xrf1)  }
0x52: {  	v31 =	vsel vm0, v31, v47;
	v32 =	vperm.xlane v32, v4;
	v46 =	vld [tilespmem:s11+$0x10];
	(xrf1) =	vsort.dscd.msk.f32 $0xffff, v60, v0;
	v63 =	vnsel vm0, $0x0, v8  }
0x53: {  	v33 =	vperm.xlane v33, v4;
	v47 =	vperm.xlane v9, v4;
	v34 =	vsel vm0, v34, v51;
	v9 =	vld [tilespmem:s11+$0x20];
	(xrf2) =	vadd.scan.msk.f32 $0xffff, v63  }
0x54: {  	v35 =	vsel vm0, v35, v52;
	v60 =	vperm.xlane v10, v4;
	v10 =	vld [tilespmem:s11+$0x80];
	(xrf1) =	vsort.dscd.msk.f32 $0xffff, v45, v1  }
0x55: {  	v36 =	vperm.xlane v36, v4;
	v37 =	vperm.xlane v37, v4;
	v45 =	vld [tilespmem:s11+$0x110];
	(xrf1) =	vsort.dscd.msk.f32 $0xffff, v48, v2  }
0x56: {  	v38 =	vperm.xlane v38, v4;
	v39 =	vperm.xlane v39, v4;
	v48 =	vld [tilespmem:s11+$0x120];
	v51, v63, _ =	vpop (xrf1);
	(xrf1) =	vsort.dscd.msk.f32 $0xffff, v62, v0  }
0x57: {  	v41 =	vsel vm0, v41, v55;
	v42 =	vsel vm0, v42, v56;
	v55 =	vld [tilespmem:s11+$0x180];
	v52, v6, _ =	vpop (xrf1);
	(xrf1) =	vsort.dscd.msk.f32 $0xffff, v46, v1  }
0x58: {  	v40 =	vsel vm0, v49, v40;
	v49 =	vsel vm0, v50, v57;
	v50 =	vld [tilespmem:s11+$0x210];
	v62, v5, _ =	vpop (xrf1);
	(xrf1) =	vsort.dscd.msk.f32 $0xffff, v9, v2  }
0x59: {  	v43 =	vperm.xlane v43, v4;
	v20 =	vsel vm0, v58, v20;
	v58 =	vld [tilespmem:s11+$0x220];
	v46, v56, _ =	vpop (xrf1);
	(xrf1) =	vsort.dscd.msk.f32 $0xffff, v10, v0  }
0x5a: {  	v44 =	vperm.xlane v44, v4;
	v22 =	vsel vm0, v53, v22;
	v53 =	vld [tilespmem:s11+$0x280];
	v9, v57, _ =	vpop (xrf1);
	(xrf1) =	vsort.dscd.msk.f32 $0xffff, v45, v1  }
0x5b: {  	v21 =	vsel vm0, v59, v21;
	v24 =	vsel vm0, v62, v24;
	v62 =	vld [tilespmem:s11+$0xFFFFFC00];
	v10, v59, _ =	vpop (xrf1);
	(xrf1) =	vsort.dscd.msk.f32 $0xffff, v48, v2  }
0x5c: {  	v23 =	vsel vm0, v61, v23;
	v26 =	vsel vm0, v9, v26;
	v9 =	vld [tilespmem:s11+$0xFFFFFD00];
	v45, v61, _ =	vpop (xrf1);
	(xrf1) =	vsort.dscd.msk.f32 $0xffff, v55, v0  }
0x5d: {  	v5 =	vsel vm0, v5, v25;
	v27 =	vsel vm0, v57, v27;
	v57 =	vld [tilespmem:s11+$0xFFFFFE00];
	v25, v48, _ =	vpop (xrf1);
	(xrf1) =	vsort.dscd.msk.f32 $0xffff, v50, v1  }
0x5e: {  	v28 =	vsel vm0, v10, v28;
	v29 =	vsel vm0, v59, v29;
	v59 =	vld [tilespmem:s11+$0xFFFFFF00];
	v1, v10, _ =	vpop (xrf1);
	(xrf1) =	vsort.dscd.msk.f32 $0xffff, v58, v2  }
0x5f: {  	v32 =	vsel vm0, v25, v32;
	v48 =	vsel vm0, v48, v33;
	v33 =	vld [tilespmem:s11+$0x0];
	v58, v25, _ =	vpop (xrf1);
	(xrf1) =	vsort.dscd.msk.f32 $0xffff, v53, v0  }
0x60: {  	v19 =	vperm.xlane v19, v4;
	v50 =	vld [tilespmem:s11+$0x100];
	v47 =	vsel vm0, v1, v47;
	(xrf1) =	vsort.dscd.msk.f32 $0xffff, v62, v0;
	v1, v2, _ =	vpop (xrf1)  }
0x61: {  	v15 =	vperm.xlane v15, v4;
	v55, _, _ =	vpop (xrf2);
	v10 =	vsel vm0, v10, v60;
	v60 =	vld [tilespmem:s11+$0x200];
	(xrf1) =	vsort.dscd.msk.f32 $0xffff, v9, v0  }
0x62: {  	v54 =	vperm.xlane v54, v4;
	v36 =	vsel vm0, v1, v36;
	v9, v1, _ =	vpop (xrf1);
	(xrf1) =	vsort.dscd.msk.f32 $0xffff, v57, v0  }
0x63: {  	v12 =	vperm.xlane v12, v4;
	v9 =	vsel vm0, v9, v38;
	v38, v57, _ =	vpop (xrf1);
	(xrf1) =	vsort.dscd.msk.f32 $0xffff, v59, v0  }
0x64: {  	v14 =	vperm.xlane v14, v4;
	v37 =	vsel vm0, v2, v37;
	v2, v62, _ =	vpop (xrf1);
	(xrf1) =	vsort.dscd.msk.f32 $0xffff, v33, v0  }
0x65: {  	v39 =	vsel vm0, v1, v39;
	v43 =	vsel vm0, v2, v43;
	v2, v1, _ =	vpop (xrf1);
	(xrf1) =	vsort.dscd.msk.f32 $0xffff, v50, v0  }
0x66: {  	v13 =	vperm.xlane v13, v4;
	v44 =	vsel vm0, v62, v44;
	v50, v62, _ =	vpop (xrf1);
	(xrf1) =	vsort.dscd.msk.f32 $0xffff, v60, v0  }
0x67: {  	v19 =	vsel vm0, v2, v19;
	v15 =	vsel vm0, v1, v15;
	v1, v2, _ =	vpop (xrf1);
	(xrf1) =	vsort.dscd.msk.f32 $0xffff, v30, v31  }
0x68: {  	v18 =	vperm.xlane v18, v4;
	v11 =	vperm.xlane v11, v4;
	v30, v31, _ =	vpop (xrf1);
	(xrf1) =	vsort.dscd.msk.f32 $0xffff, v34, v35  }
0x69: {  	v17 =	vperm.xlane v17, v4;
	v16 =	vperm.xlane v16, v4;
	v34, v35, _ =	vpop (xrf1);
	(xrf1) =	vsort.dscd.msk.f32 $0xffff, v41, v42  }
0x6a: {  	v6 =	vperm.xlane v6, v4;
	v25 =	vperm.xlane v25, v4;
	v41, v42, _ =	vpop (xrf1);
	(xrf1) =	vsort.dscd.msk.f32 $0xffff, v40, v49  }
0x6b: {  	v14 =	vsel vm0, v30, v14;
	v13 =	vsel vm0, v31, v13;
	v30, v31, _ =	vpop (xrf1);
	(xrf1) =	vsort.dscd.msk.f32 $0xffff, v20, v21  }
0x6c: {  	v33 =	vsel vm0, v1, v54;
	v12 =	vsel vm0, v2, v12;
	v20, v21, _ =	vpop (xrf1);
	(xrf1) =	vsort.dscd.msk.f32 $0xffff, v22, v23  }
0x6d: {  	v54 =	vperm.xlane v51, v4;
	v1 =	vperm.xlane v45, v4;
	v22, v23, _ =	vpop (xrf1);
	(xrf1) =	vsort.dscd.msk.f32 $0xffff, v24, v5  }
0x6e: {  	v16 =	vsel vm0, v31, v16;
	v31 =	vperm.xlane v52, v4;
	v5, v24, _ =	vpop (xrf1);
	(xrf1) =	vsort.dscd.msk.f32 $0xffff, v26, v27  }
0x6f: {  	v2 =	vperm.xlane v61, v4;
	v51 =	vperm.xlane v62, v4;
	v26, v27, _ =	vpop (xrf1);
	(xrf1) =	vsort.dscd.msk.f32 $0xffff, v28, v29  }
0x70: {  	v49 =	vperm.xlane v50, v4;
	v34 =	vperm.xlane v34, v4;
	v28, v29, _ =	vpop (xrf1);
	(xrf1) =	vsort.dscd.msk.f32 $0xffff, v32, v48  }
0x71: {  	v35 =	vperm.xlane v35, v4;
	v18 =	vsel vm0, v41, v18;
	v60, v59, _ =	vpop (xrf1);
	(xrf1) =	vsort.dscd.msk.f32 $0xffff, v47, v10  }
0x72: {  	v17 =	vsel vm0, v30, v17;
	v30 =	vperm.xlane v63, v4;
	v10, v63, _ =	vpop (xrf1);
	(xrf1) =	vsort.dscd.msk.f32 $0xffff, v36, v37  }
0x73: {  	v5 =	vsel vm0, v5, v31;
	v6 =	vsel vm0, v24, v6;
	v24, v31, _ =	vpop (xrf1);
	(xrf1) =	vsort.dscd.msk.f32 $0xffff, v9, v39  }
0x74: {  	v11 =	vsel vm0, v42, v11;
	v20 =	vperm.xlane v20, v4;
	v9, v0, _ =	vpop (xrf1);
	(xrf1) =	vsort.dscd.msk.f32 $0xffff, v43, v44  }
0x75: {  	v23 =	vsel vm0, v23, v30;
	v30 =	vperm.xlane v46, v4;
	v45, v46, _ =	vpop (xrf1);
	(xrf1) =	vsort.dscd.msk.f32 $0xffff, v19, v15  }
0x76: {  	v21 =	vperm.xlane v21, v4;
	v22 =	vsel vm0, v22, v54;
	v15, v19, _ =	vpop (xrf1);
	(xrf1) =	vsort.dscd.msk.f32 $0xffff, v33, v12  }
0x77: {  	v26 =	vsel vm0, v26, v30;
	v30 =	vperm.xlane v56, v4;
	v12, v33, _ =	vpop (xrf1);
	(xrf1) =	vsort.dscd.msk.f32 $0xffff, v14, v13  }
0x78: {  	v48 =	vperm.xlane v57, v4;
	v28 =	vsel vm0, v28, v1;
	v13, v14, _ =	vpop (xrf1);
	(xrf1) =	vsort.dscd.msk.f32 $0xffff, v18, v11  }
0x79: {  	v27 =	vsel vm0, v27, v30;
	v30 =	vperm.xlane v58, v4;
	v11, v18, _ =	vpop (xrf1);
	(xrf1) =	vsort.dscd.msk.f32 $0xffff, v17, v16  }
0x7a: {  	v29 =	vsel vm0, v29, v2;
	v47 =	vperm.xlane v38, v4;
	v16, v17, _ =	vpop (xrf1);
	(xrf1) =	vsort.dscd.msk.f32 $0xffff, v22, v23  }
0x7b: {  	v25 =	vsel vm0, v59, v25;
	v30 =	vsel vm0, v60, v30;
	v22, v23, _ =	vpop (xrf1);
	(xrf1) =	vsort.dscd.msk.f32 $0xffff, v5, v6  }
0x7c: {  	v10 =	vsel vm0, v10, v47;
	v50 =	vsel vm0, v63, v48;
	v5, v6, _ =	vpop (xrf1);
	(xrf1) =	vsort.dscd.msk.f32 $0xffff, v26, v27  }
0x7d: {  	v24 =	vsel vm0, v24, v49;
	v31 =	vsel vm0, v31, v51;
	v26, v27, _ =	vpop (xrf1);
	(xrf1) =	vsort.dscd.msk.f32 $0xffff, v28, v29  }
0x7e: {  	v9 =	vsel vm0, v9, v34;
	v52 =	vsel vm0, v0, v35;
	v28, v29, _ =	vpop (xrf1);
	(xrf1) =	vsort.dscd.msk.f32 $0xffff, v30, v25  }
0x7f: {  	v20 =	vsel vm0, v45, v20;
	v19 =	vperm.xlane v19, v4;
	v25, v30, _ =	vpop (xrf1);
	(xrf1) =	vsort.dscd.msk.f32 $0xffff, v10, v50  }
0x80: {  	v21 =	vsel vm0, v46, v21;
	v15 =	vperm.xlane v15, v4;
	v10, v32, _ =	vpop (xrf1);
	(xrf1) =	vsort.dscd.msk.f32 $0xffff, v24, v31  }
0x81: {  	v12 =	vperm.xlane v12, v4;
	v19 =	vsel vm0, v29, v19;
	v24, v31, _ =	vpop (xrf1);
	(xrf1) =	vsort.dscd.msk.f32 $0xffff, v9, v52  }
0x82: {  	v15 =	vsel vm0, v28, v15;
	v9, v34, _ =	vpop (xrf1);
	(xrf1) =	vsort.dscd.msk.f32 $0xffff, v20, v21;
	v20 =	vperm.xlane v33, v4  }
0x83: {  	v53, _, _ =	vpop (xrf2);
	v13 =	vperm.xlane v13, v4;
	v14 =	vperm.xlane v14, v4  }
0x84: {  	v18 =	vperm.xlane v18, v4;
	v10 =	vsel vm0, v10, v12;
	v28, v29, _ =	vpop (xrf1);
	v12 =	vsel vm0, v32, v20  }
0x85: {  	(xrf1) =	vsort.dscd.msk.f32 $0xffff, v15, v19;
	v15, v19, _ =	vpop (xrf1)  }
0x86: {  	v11 =	vperm.xlane v11, v4;
	v9 =	vsel vm0, v9, v13;
	v13 =	vsel vm0, v34, v14;
	v21, v56, _ =	vpop (xrf1)  }
0x87: {  	v17 =	vperm.xlane v17, v4;
	(xrf1) =	vsort.dscd.msk.f32 $0xffff, v10, v12;
	v14 =	vsel vm0, v19, v18;
	v20, v32, _ =	vpop (xrf1)  }
0x88: {  	v16 =	vperm.xlane v16, v4;
	v22 =	vperm.xlane v22, v4;
	v11 =	vsel vm0, v15, v11;
	v10, v12, _ =	vpop (xrf1)  }
0x89: {  	v23 =	vperm.xlane v23, v4;
	v5 =	vperm.xlane v5, v4;
	v17 =	vsel vm0, v32, v17;
	v15, v18, _ =	vpop (xrf1)  }
0x8a: {  	v6 =	vperm.xlane v6, v4;
	v16 =	vsel vm0, v20, v16;
	(xrf1) =	vsort.dscd.msk.f32 $0xffff, v9, v13;
	v9, v13, _ =	vpop (xrf1)  }
0x8b: {  	v54 =	vbroadcast v53, $0xF;
	v26 =	vperm.xlane v26, v4;
	(xrf1) =	vsort.dscd.msk.f32 $0xffff, v11, v14;
	v18 =	vsel vm0, v18, v23;
	v11, v14, _ =	vpop (xrf1)  }
0x8c: {  	v27 =	vperm.xlane v27, v4;
	v19 =	vbroadcast v55, $0xF;
	v15 =	vsel vm0, v15, v22;
	v20, v57, _ =	vpop (xrf1)  }
0x8d: {  	(erf) = vrcp.f32 v54;
	v25 =	vperm.xlane v25, v4;
	(xrf1) =	vsort.dscd.msk.f32 $0xffff, v16, v17;
	v6 =	vsel vm0, v14, v6;
	v16, v17, _ =	vpop (xrf1)  }
0x8e: {  	v30 =	vperm.xlane v30, v4;
	(erf) = vrcp.f32 v19;
	v5 =	vsel vm0, v11, v5;
	(xrf1) =	vsort.dscd.msk.f32 $0xffff, v15, v18;
	v22, v23, _ =	vpop (xrf1)  }
0x8f: {  	v19 =	vsel vm0, v20, v26;
	v20 =	vsel vm0, v57, v27;
	v27 =	vperm.xlane v31, v4;
	v15, v18, _ =	vpop (xrf1)  }
0x90: {  	v24 =	vperm.xlane v24, v4;
	v11, v14, _ =	vpop (xrf1)  }
0x91: {  	v16 =	vsel vm0, v16, v25;
	(xrf1) =	vsort.dscd.msk.f32 $0xffff, v5, v6;
	v23 =	vsel vm0, v23, v27;
	v5, v6, _ =	vpop (xrf1)  }
0x92: {  	v17 =	vsel vm0, v17, v30;
	v22 =	vsel vm0, v22, v24;
	(xrf1) =	vsort.dscd.msk.f32 $0xffff, v19, v20;
	v25, v26, _ =	vpop (xrf1)  }
0x93: {  	v28 =	vperm.xlane v28, v4;
	v20 =	vperm.xlane v29, v4;
	(xrf1) =	vsort.dscd.msk.f32 $0xffff, v16, v17;
	v30, v19, _ =	vpop (xrf1)  }
0x94: {  	v17 =	vperm.xlane v56, v4;
	(xrf1) =	vsort.dscd.msk.f32 $0xffff, v22, v23;
	v16 =	vnsel vm0, $0x0, v30  }
0x95: {  	v15 =	vsel vm0, v15, v28;
	v22, v23, _ =	vpop (xrf1);
	(xrf2) =	vadd.scan.msk.f32 $0xffff, v16;
	v16 =	vsel vm0, v18, v20  }
0x96: {  	(xrf1) =	vsort.dscd.msk.f32 $0xffff, v15, v16;
	v15 =	vnsel vm0, $0x0, v22  }
0x97: {  	v21 =	vperm.xlane v21, v4;
	(xrf2) =	vadd.scan.msk.f32 $0xffff, v15  }
0x98: {  	v10 =	vperm.xlane v10, v4  }
0x99: {  	v11 =	vsel vm0, v11, v21;
	v14 =	vsel vm0, v14, v17;
	v27, v17, _ =	vpop (xrf1)  }
0x9a: {  	v13 =	vperm.xlane v13, v4;
	v5 =	vsel vm0, v5, v10;
	(xrf1) =	vsort.dscd.msk.f32 $0xffff, v11, v14;
	v11 =	vnsel vm0, $0x0, v27;
	v28, v15, _ =	vpop (xrf1)  }
0x9b: {  	v12 =	vperm.xlane v12, v4;
	(xrf2) =	vadd.scan.msk.f32 $0xffff, v11;
	v14 =	vnsel vm0, $0x0, v28  }
0x9c: {  	v9 =	vperm.xlane v9, v4;
	v10 =	vsel vm0, v26, v13;
	(xrf2) =	vadd.scan.msk.f32 $0xffff, v14  }
0x9d: {  	v6 =	vsel vm0, v6, v12;
	v11 =	vpop (erf)  }
0x9e: {  	v9 =	vsel vm0, v25, v9;
	(xrf1) =	vsort.dscd.msk.f32 $0xffff, v5, v6;
	v20, v5, _ =	vpop (xrf1)  }
0x9f: {  	(xrf1) =	vsort.dscd.msk.f32 $0xffff, v9, v10;
	v6 =	vnsel vm0, $0x0, v20;
	v10, v24, _ =	vpop (xrf1)  }
0xa0: {  	v58 =	vld [tilespmem:$0x1FFC0];
	v16 =	vnsel vm0, $0x0, v10;
	v14, _, _ =	vpop (xrf2);
	(xrf2) =	vadd.scan.msk.f32 $0xffff, v6  }
0xa1: {  	v8 =	vmul.f32 v11, v8;
	v11 =	vbroadcast v14, $0xF;
	v18, _, _ =	vpop (xrf2);
	(xrf2) =	vadd.scan.msk.f32 $0xffff, v16  }
0xa2: {  	v12 =	vpop (erf);
	v16 =	vbroadcast v18, $0xF  }
0xa3: {  	v60 =	vld [tilespmem:$0x1FFD0];
	v9, v6, _ =	vpop (xrf1)  }
0xa4: {  	v7 =	vperm.xlane v7, v4;
	v13, v21, _ =	vpop (xrf1)  }
0xa5: {  	v12 =	vmul.f32 v12, v58;
	v18 =	vnsel vm0, $0x0, v9;
	(erf) = vrcp.f32 v11;
	v11, _, _ =	vpop (xrf2)  }
0xa6: {  	v8 =	vperm.xlane v8, v4;
	(erf) = vrcp.f32 v16;
	v16, _, _ =	vpop (xrf2)  }
0xa7: {  	v14, v25, _ =	vpop (xrf1);
	(xrf2) =	vadd.scan.msk.f32 $0xffff, v18;
	v11 =	vbroadcast v11, $0xF;
	v29 =	vbroadcast v16, $0xF  }
0xa8: {  	v61 =	vsel vm0, v60, v7;
	v7 =	vperm.xlane v23, v4;
	v18, v26, _ =	vpop (xrf1)  }
0xa9: {  	v31 =	vsel vm0, v12, v8;
	v8 =	vnsel vm0, $0x0, v13;
	v16, v59, _ =	vpop (xrf1);
	(erf) = vrcp.f32 v11  }
0xaa: {  	(xrf2) =	vadd.scan.msk.f32 $0xffff, v8;
	v11 =	vperm.xlane v19, v4;
	v19 =	vnsel vm0, $0x0, v14;
	(erf) = vrcp.f32 v29;
	v23, _, _ =	vpop (xrf2)  }
0xab: {  	v17 =	vperm.xlane v17, v4;
	v24 =	vperm.xlane v24, v4;
	(xrf2) =	vadd.scan.msk.f32 $0xffff, v19;
	v63, _, _ =	vpop (xrf2)  }
0xac: {  	v60 =	vmov v3;
	v5 =	vperm.xlane v5, v4;
	v23 =	vbroadcast v23, $0xF;
	v12, v29, _ =	vpop (xrf1)  }
0xad: {  	v15 =	vperm.xlane v15, v4;
	v17 =	vsel vm0, v26, v17;
	v26 =	vperm.xlane v6, v4;
	v37, v62, _ =	vpop (xrf1)  }
0xae: {  	v21 =	vsel vm0, v21, v11;
	v19 =	vsel vm0, v25, v7;
	v11 =	vsel vm0, v29, v5;
	v36, v25, _ =	vpop (xrf1)  }
0xaf: {  	v29 =	vbroadcast v63, $0xF;
	v35 =	vsel vm0, v62, v24;
	v24 =	vpop (erf);
	(erf) = vrcp.f32 v23  }
0xb0: {  	s11 =	simm.s32 $0x10040;
	v34 =	vsel vm0, v25, v26;
	v24 =	vmul.f32 v24, v30;
	v23 =	vpop (erf);
	v25 =	vnsel vm0, $0x0, v18  }
0xb1: {  	[tilespmem:s11+$0x30] =	vst v31;
	(erf) = vrcp.f32 v29;
	v29 =	vnsel vm0, $0x0, v16;
	v22 =	vmul.f32 v23, v22;
	v23, _, _ =	vpop (xrf2)  }
0xb2: {  	s12 =	simm.s32 $0x11040;
	v15 =	vsel vm0, v59, v15;
	v26 =	vpop (erf);
	(xrf2) =	vadd.scan.msk.f32 $0xffff, v25;
	v24 =	vperm.xlane v24, v4;
	v30 =	vbroadcast v23, $0xF  }
0xb3: {  	[tilespmem:s12+$0x30] =	vst v61;
	v31 =	vnsel vm0, $0x0, v12;
	v23 =	vperm.xlane v22, v4;
	v22 =	vmul.f32 v26, v27;
	v25 =	vpop (erf)  }
0xb4: {  	s15 =	simm.s32 $0x0;
	(xrf2) =	vadd.scan.msk.f32 $0xffff, v29;
	v26 =	vnsel vm0, $0x0, v37;
	v29, _, _ =	vpop (xrf2);
	(erf) = vrcp.f32 v30;
	v27 =	vmul.f32 v25, v28  }
0xb5: {  	s16 =	simm.s32 $0xC00;
	s13 =	simm.s32 $0x10040;
	s14 =	simm.s32 $0x11040;
	(xrf2) =	vadd.scan.msk.f32 $0xffff, v31;
	v25 =	vnsel vm0, $0x0, v36;
	v28 =	vbroadcast v29, $0xF;
	v29, _, _ =	vpop (xrf2);
	v22 =	vperm.xlane v22, v4  }
.LBB2_2:
0xb6: {  	_ = 	snop  }
0xb7: {  	v30 =	vld [tilespmem:s16+$0x310]  }
0xb8: {  	v53 =	vld [tilespmem:$0x1FFE0]  }
0xb9: {  	v31 =	vld [tilespmem:s16+$0x330];
	(erf) = vrcp.f32 v28  }
0xba: {  	v0 =	vbroadcast v29, $0xF;
	(xrf2) =	vadd.scan.msk.f32 $0xffff, v26;
	v26 =	vld [tilespmem:s16+$0x320]  }
0xbb: {  	v49 =	vld [tilespmem:$0x1FFF0];
	v28 =	vpop (erf)  }
0xbc: {  	v32 =	vld [tilespmem:s16+$0x390];
	(erf) = vrcp.f32 v0;
	v20 =	vmul.f32 v28, v20;
	v28, _, _ =	vpop (xrf2)  }
0xbd: {  	v33 =	vld [tilespmem:s16+$0x3B0];
	(xrf1) =	vsort.dscd.msk.f32 $0xffff, v30, v53;
	v29 =	vpop (erf)  }
0xbe: {  	(xrf2) =	vadd.scan.msk.f32 $0xffff, v25;
	v25 =	vld [tilespmem:s16+$0x300];
	v1 =	vbroadcast v28, $0xF;
	v10 =	vmul.f32 v29, v10;
	v29, _, _ =	vpop (xrf2)  }
0xbf: {  	v30 =	vld [tilespmem:s16+$0x3A0];
	(xrf1) =	vsort.dscd.msk.f32 $0xffff, v31, v60;
	v29 =	vbroadcast v29, $0xF  }
0xc0: {  	v31 =	vld [tilespmem:s16+$0xFFFFFCB0];
	(xrf1) =	vsort.dscd.msk.f32 $0xffff, v26, v49;
	(erf) = vrcp.f32 v1  }
0xc1: {  	v26 =	vld [tilespmem:s16+$0x380];
	v28 =	vpop (erf);
	(xrf1) =	vsort.dscd.msk.f32 $0xffff, v32, v53;
	(erf) = vrcp.f32 v29  }
0xc2: {  	v6 =	vlaneseq.u32;
	(xrf1) =	vsort.dscd.msk.f32 $0xffff, v33, v60;
	v47 =	vpop (erf);
	v29 =	vld [tilespmem:s16+$0xFFFFFDB0]  }
0xc3: {  	v48 =	vld [tilespmem:s16+$0xFFFFFEB0];
	v9 =	vmul.f32 v28, v9;
	v28, _, _ =	vpop (xrf2);
	v13 =	vmul.f32 v47, v13;
	(xrf1) =	vsort.dscd.msk.f32 $0xffff, v25, v6  }
0xc4: {  	v25 =	vld [tilespmem:s16+$0xFFFFFFB0];
	(xrf1) =	vsort.dscd.msk.f32 $0xffff, v30, v49;
	v30, _, _ =	vpop (xrf2)  }
0xc5: {  	v50 =	vld [tilespmem:s16+$0xB0];
	v24 =	vsel vm0, v13, v24;
	(xrf1) =	vsort.dscd.msk.f32 $0xffff, v31, v60;
	v51 =	vbroadcast v30, $0xF;
	v30 =	vpop (erf)  }
0xc6: {  	v31 =	vld [tilespmem:s16+$0x1B0];
	[tilespmem:s11+$0xFFFFFFC0] =	vst v24;
	(xrf1) =	vsort.dscd.msk.f32 $0xffff, v26, v6;
	v14 =	vmul.f32 v30, v14  }
0xc7: {  	v24 =	vld [tilespmem:s16+$0x2B0];
	[tilespmem:s12+$0xFFFFFFC0] =	vst v21;
	(xrf1) =	vsort.dscd.msk.f32 $0xffff, v29, v60  }
0xc8: {  	v26 =	vld [tilespmem:s16+$0xFFFFFC30];
	v21, _, _ =	vpop (xrf2);
	(xrf1) =	vsort.dscd.msk.f32 $0xffff, v48, v60;
	v23 =	vsel vm0, v14, v23  }
0xc9: {  	v29 =	vld [tilespmem:s16+$0xFFFFFC90];
	v52 =	vbroadcast v21, $0xF;
	(xrf1) =	vsort.dscd.msk.f32 $0xffff, v25, v60;
	v21 =	vpop (erf);
	[tilespmem:s11+$0xFFFFFFD0] =	vst v23  }
0xca: {  	v27 =	vperm.xlane v27, v4;
	(xrf1) =	vsort.dscd.msk.f32 $0xffff, v50, v60;
	v18 =	vmul.f32 v21, v18;
	v21 =	vld [tilespmem:s16+$0xFFFFFCA0];
	[tilespmem:s12+$0xFFFFFFD0] =	vst v19;
	v19 =	vpop (erf)  }
0xcb: {  	(xrf1) =	vsort.dscd.msk.f32 $0xffff, v31, v60;
	v16 =	vmul.f32 v19, v16  }
0xcc: {  	(xrf1) =	vsort.dscd.msk.f32 $0xffff, v24, v60;
	v18 =	vsel vm0, v18, v22;
	v22, v24, _ =	vpop (xrf1)  }
0xcd: {  	v28 =	vbroadcast v28, $0xF;
	(xrf1) =	vsort.dscd.msk.f32 $0xffff, v26, v60;
	v25, v26, _ =	vpop (xrf1);
	v16 =	vsel vm0, v16, v27  }
0xce: {  	(xrf1) =	vsort.dscd.msk.f32 $0xffff, v29, v53;
	v25 =	vperm.xlane v25, v4;
	v26 =	vperm.xlane v26, v4;
	v27, v29, _ =	vpop (xrf1)  }
0xcf: {  	v22 =	vperm.xlane v22, v4;
	v24 =	vperm.xlane v24, v4;
	(xrf1) =	vsort.dscd.msk.f32 $0xffff, v21, v49;
	v21, v30, _ =	vpop (xrf1)  }
0xd0: {  	v23 =	vld [tilespmem:s16+$0xFFFFFD30];
	v25 =	vsel vm0, v27, v25;
	v54 =	vsel vm0, v29, v26;
	v21 =	vperm.xlane v21, v4;
	v27, v29, _ =	vpop (xrf1)  }
0xd1: {  	v27 =	vperm.xlane v27, v4;
	v56 =	vperm.xlane v29, v4;
	v31, v57, _ =	vpop (xrf1);
	(xrf1) =	vsort.dscd.msk.f32 $0xffff, v25, v54  }
0xd2: {  	v19 =	vld [tilespmem:s16+$0xFFFFFD90];
	[tilespmem:s11+$0xFFFFFFE0] =	vst v18;
	v25 =	vperm.xlane v30, v4;
	v2 =	vsel vm0, v31, v22;
	v59 =	vsel vm0, v57, v24;
	v26, v30, _ =	vpop (xrf1)  }
0xd3: {  	v18 =	vld [tilespmem:s16+$0xFFFFFDA0];
	[tilespmem:s12+$0xFFFFFFE0] =	vst v17;
	v26 =	vsel vm0, v26, v27;
	v27 =	vsel vm0, v30, v56;
	v29, v30, _ =	vpop (xrf1);
	(xrf1) =	vsort.dscd.msk.f32 $0xffff, v2, v59  }
0xd4: {  	v45 =	vperm.xlane v10, v4;
	(erf) = vrcp.f32 v28;
	v17 =	vld [tilespmem:s16+$0xFFFFFE30];
	v22, v24, _ =	vpop (xrf1);
	(xrf1) =	vsort.dscd.msk.f32 $0xffff, v26, v27  }
0xd5: {  	[tilespmem:s11+$0xFFFFFFF0] =	vst v16;
	v16 =	vld [tilespmem:s16+$0xFFFFFE90];
	v50 =	vsel vm0, v22, v21;
	v22 =	vsel vm0, v24, v25;
	(xrf1) =	vsort.dscd.msk.f32 $0xffff, v23, v60;
	v23, v24, _ =	vpop (xrf1)  }
0xd6: {  	v28 =	vperm.xlane v23, v4;
	v39 =	vperm.xlane v24, v4;
	v23, v24, _ =	vpop (xrf1);
	(xrf1) =	vsort.dscd.msk.f32 $0xffff, v50, v22  }
0xd7: {  	[tilespmem:s12+$0xFFFFFFF0] =	vst v15;
	v15 =	vld [tilespmem:s16+$0xFFFFFEA0];
	(xrf1) =	vsort.dscd.msk.f32 $0xffff, v19, v53;
	v19, v21, _ =	vpop (xrf1)  }
0xd8: {  	v20 =	vperm.xlane v20, v4;
	[tilespmem:$0x1FF30] =	vst v45;
	v55 =	vld [tilespmem:s16+$0xFFFFFF30];
	v45 =	vperm.xlane v21, v4;
	(xrf1) =	vsort.dscd.msk.f32 $0xffff, v18, v49;
	v18, v21, _ =	vpop (xrf1)  }
0xd9: {  	v58 =	vld [tilespmem:s16+$0xFFFFFF90];
	v62 =	vperm.xlane v29, v4;
	v29 =	vperm.xlane v21, v4;
	(xrf1) =	vsort.dscd.msk.f32 $0xffff, v17, v60;
	v17, v21, _ =	vpop (xrf1)  }
0xda: {  	v61 =	vld [tilespmem:s16+$0xFFFFFFA0];
	v30 =	vperm.xlane v30, v4;
	v32 =	vperm.xlane v21, v4;
	(xrf1) =	vsort.dscd.msk.f32 $0xffff, v16, v53;
	v16, v21, _ =	vpop (xrf1)  }
0xdb: {  	v63 =	vld [tilespmem:s16+$0x30];
	v46 =	vperm.xlane v9, v4;
	v41 =	vperm.xlane v23, v4;
	v0, v22, _ =	vpop (xrf1)  }
0xdc: {  	v38 =	vld [tilespmem:s16+$0x90];
	v42 =	vperm.xlane v24, v4;
	v25 =	vperm.xlane v16, v4;
	(xrf1) =	vsort.dscd.msk.f32 $0xffff, v15, v49;
	v15, v16, _ =	vpop (xrf1)  }
0xdd: {  	v40 =	vld [tilespmem:s16+$0xA0];
	(xrf1) =	vsort.dscd.msk.f32 $0xffff, v55, v60;
	v23 =	vperm.xlane v15, v4;
	v24 =	vperm.xlane v16, v4;
	v15, v16, _ =	vpop (xrf1)  }
0xde: {  	v43 =	vld [tilespmem:s16+$0x130];
	[tilespmem:$0x1FEC0] =	vst v52;
	v27 =	vperm.xlane v18, v4;
	(xrf1) =	vsort.dscd.msk.f32 $0xffff, v58, v53;
	v52 =	vsel vm0, v16, v30;
	v30 =	vpop (erf)  }
0xdf: {  	v1 =	vperm.xlane v17, v4;
	v26 =	vperm.xlane v21, v4;
	(xrf1) =	vsort.dscd.msk.f32 $0xffff, v61, v49;
	v54, v55, _ =	vpop (xrf1)  }
0xe0: {  	[tilespmem:$0x1FFB0] =	vst v34;
	v44 =	vld [tilespmem:s16+$0x190];
	(xrf1) =	vsort.dscd.msk.f32 $0xffff, v63, v60;
	v12 =	vmul.f32 v30, v12;
	v34 =	vperm.xlane v54, v4  }
0xe1: {  	v18 =	vld [tilespmem:s16+$0x1A0];
	v21 =	vperm.xlane v0, v4;
	v56 =	vperm.xlane v55, v4;
	(xrf1) =	vsort.dscd.msk.f32 $0xffff, v38, v53  }
0xe2: {  	[tilespmem:$0x1FEB0] =	vst v51;
	v51 =	vsel vm0, v15, v62;
	(xrf1) =	vsort.dscd.msk.f32 $0xffff, v40, v49;
	v57, v58, _ =	vpop (xrf1);
	v12 =	vsel vm0, v12, v20  }
0xe3: {  	[tilespmem:$0x1FFA0] =	vst v46;
	v17 =	vld [tilespmem:s16+$0x230];
	v0 =	vsel vm0, v57, v34;
	v2 =	vsel vm0, v58, v56;
	(xrf1) =	vsort.dscd.msk.f32 $0xffff, v43, v60;
	v61, v59, _ =	vpop (xrf1)  }
0xe4: {  	v46 =	vld [tilespmem:s16+$0x290];
	[tilespmem:s11+$0x0] =	vst v12;
	v12 =	vperm.xlane v61, v4;
	v62 =	vperm.xlane v59, v4;
	v34, v63, _ =	vpop (xrf1);
	(xrf1) =	vsort.dscd.msk.f32 $0xffff, v0, v2  }
0xe5: {  	v47 =	vld [tilespmem:s16+$0x2A0];
	v19 =	vperm.xlane v19, v4;
	[tilespmem:s12+$0x0] =	vst v11;
	v31 =	vperm.xlane v34, v4;
	(xrf1) =	vsort.dscd.msk.f32 $0xffff, v44, v53;
	v11, v20, _ =	vpop (xrf1)  }
0xe6: {  	[tilespmem:$0x1FED0] =	vst v37;
	v33 =	vld [tilespmem:s16+$0xFFFFFC10];
	v11 =	vsel vm0, v11, v12;
	v12 =	vsel vm0, v20, v62;
	v37, v34, _ =	vpop (xrf1);
	(xrf1) =	vsort.dscd.msk.f32 $0xffff, v18, v49  }
0xe7: {  	v48 =	vld [tilespmem:s16+$0xFFFFFC20];
	v56 =	vperm.xlane v37, v4;
	v57 =	vperm.xlane v34, v4;
	v18, v20, _ =	vpop (xrf1);
	(xrf1) =	vsort.dscd.msk.f32 $0xffff, v11, v12  }
0xe8: {  	[tilespmem:$0x1FF70] =	vst v35;
	v35 =	vld [tilespmem:s16+$0xFFFFFC80];
	v38 =	vsel vm0, v18, v28;
	v43 =	vsel vm0, v20, v39;
	v44, v20, _ =	vpop (xrf1);
	(xrf1) =	vsort.dscd.msk.f32 $0xffff, v17, v60  }
0xe9: {  	[tilespmem:$0x1FEF0] =	vst v51;
	v30 =	vld [tilespmem:s16+$0xFFFFFD10];
	v51 =	vperm.xlane v44, v4;
	v34 =	vperm.xlane v20, v4;
	v17, v18, _ =	vpop (xrf1);
	(xrf1) =	vsort.dscd.msk.f32 $0xffff, v46, v53  }
0xea: {  	v44 =	vperm.xlane v17, v4;
	v37 =	vperm.xlane v18, v4;
	v17, v18, _ =	vpop (xrf1);
	(xrf1) =	vsort.dscd.msk.f32 $0xffff, v47, v49  }
0xeb: {  	[tilespmem:$0x1FF00] =	vst v52;
	v52 =	vld [tilespmem:s16+$0xFFFFFD20];
	v46 =	vsel vm0, v17, v41;
	v47 =	vsel vm0, v18, v42;
	(xrf1) =	vsort.dscd.msk.f32 $0xffff, v33, v53;
	v20, v28, _ =	vpop (xrf1)  }
0xec: {  	v40 =	vld [tilespmem:s16+$0xFFFFFD80];
	[tilespmem:$0x1FF10] =	vst v38;
	v38 =	vperm.xlane v20, v4;
	v39 =	vperm.xlane v28, v4;
	(xrf1) =	vsort.dscd.msk.f32 $0xffff, v48, v49;
	v20, v28, _ =	vpop (xrf1)  }
0xed: {  	v54 =	vld [tilespmem:s16+$0xFFFFFE10];
	[tilespmem:$0x1FF20] =	vst v43;
	v42 =	vperm.xlane v20, v4;
	v43 =	vperm.xlane v28, v4;
	(xrf1) =	vsort.dscd.msk.f32 $0xffff, v35, v6;
	v20, v28, _ =	vpop (xrf1)  }
0xee: {  	v48 =	vsel vm0, v20, v19;
	v19 =	vsel vm0, v28, v45;
	(xrf1) =	vsort.dscd.msk.f32 $0xffff, v30, v53;
	v28, v30, _ =	vpop (xrf1)  }
0xef: {  	[tilespmem:$0x1FF40] =	vst v46;
	v45 =	vperm.xlane v28, v4;
	v46 =	vperm.xlane v30, v4;
	v28, v30, _ =	vpop (xrf1)  }
0xf0: {  	v55 =	vld [tilespmem:s16+$0xFFFFFE20];
	(xrf1) =	vsort.dscd.msk.f32 $0xffff, v52, v49;
	v52 =	vperm.xlane v28, v4;
	v18 =	vperm.xlane v30, v4;
	v28, v30, _ =	vpop (xrf1)  }
0xf1: {  	v58 =	vld [tilespmem:s16+$0xFFFFFE80];
	(xrf1) =	vsort.dscd.msk.f32 $0xffff, v40, v6;
	v12 =	vsel vm0, v28, v27;
	v28 =	vsel vm0, v30, v29;
	v27, v30, _ =	vpop (xrf1)  }
0xf2: {  	(xrf1) =	vsort.dscd.msk.f32 $0xffff, v54, v53;
	v33, v54, _ =	vpop (xrf1)  }
0xf3: {  	[tilespmem:$0x1FF60] =	vst v48;
	v41 =	vperm.xlane v30, v4;
	v35 =	vnsel vm0, $0x0, v33;
	v30, v48, _ =	vpop (xrf1)  }
0xf4: {  	[tilespmem:$0x1FF90] =	vst v54;
	v2, v54, _ =	vpop (xrf1);
	(xrf2) =	vadd.scan.msk.f32 $0xffff, v35  }
0xf5: {  	(xrf1) =	vsort.dscd.msk.f32 $0xffff, v55, v49;
	v29 =	vsel vm0, v2, v1;
	v2, v55, _ =	vpop (xrf1)  }
0xf6: {  	v40 =	vperm.xlane v27, v4;
	v27 =	vsel vm0, v54, v32;
	(xrf1) =	vsort.dscd.msk.f32 $0xffff, v58, v6;
	v35 =	vnsel vm0, $0x0, v2;
	v54, v58, _ =	vpop (xrf1)  }
0xf7: {  	v32, v1, _ =	vpop (xrf1)  }
0xf8: {  	v59 =	vld [tilespmem:s16+$0xFFFFFF10]  }
0xf9: {  	v0 =	vld [tilespmem:s16+$0xFFFFFF20];
	[tilespmem:$0x1FF50] =	vst v47;
	(xrf2) =	vadd.scan.msk.f32 $0xffff, v35;
	v47 =	vperm.xlane v32, v4;
	v35, v32, _ =	vpop (xrf1)  }
0xfa: {  	[tilespmem:$0x1FEE0] =	vst v36;
	v36 =	vperm.xlane v58, v4;
	v58 =	vsel vm0, v35, v25;
	v35 =	vld [tilespmem:$0x1FEB0]  }
0xfb: {  	v61 =	vld [tilespmem:s16+$0xFFFFFF80]  }
0xfc: {  	v62 =	vld [tilespmem:s16+$0x10]  }
0xfd: {  	v50 =	vperm.xlane v63, v4;
	v63 =	vld [tilespmem:s16+$0x20]  }
0xfe: {  	(xrf1) =	vsort.dscd.msk.f32 $0xffff, v59, v53  }
0xff: {  	v22 =	vperm.xlane v22, v4;
	v9 =	vld [tilespmem:s16+$0x80];
	v59 =	vsel vm0, v32, v26;
	v25, v26, _ =	vpop (xrf1);
	(xrf1) =	vsort.dscd.msk.f32 $0xffff, v0, v49;
	(erf) = vrcp.f32 v35  }
0x100: {  	v3 =	vld [tilespmem:s16+$0x110];
	v35 =	vperm.xlane v25, v4;
	v25 =	vperm.xlane v26, v4;
	v26, v32, _ =	vpop (xrf1);
	(xrf1) =	vsort.dscd.msk.f32 $0xffff, v61, v6  }
0x101: {  	v21 =	vsel vm0, v26, v21;
	v26 =	vsel vm0, v32, v22;
	v32, v61, _ =	vpop (xrf1);
	(xrf1) =	vsort.dscd.msk.f32 $0xffff, v62, v53  }
0x102: {  	v22 =	vsel vm0, v32, v23;
	v23 =	vsel vm0, v61, v24;
	v62, v24, _ =	vpop (xrf1);
	(xrf1) =	vsort.dscd.msk.f32 $0xffff, v63, v49;
	v63 =	vld [tilespmem:$0x1FEC0]  }
0x103: {  	v10 =	vld [tilespmem:s16+$0x120]  }
0x104: {  	v11 =	vld [tilespmem:s16+$0x180];
	v61 =	vperm.xlane v62, v4;
	v32, v62, _ =	vpop (xrf1);
	(xrf1) =	vsort.dscd.msk.f32 $0xffff, v9, v6  }
0x105: {  	v8 =	vld [tilespmem:s16+$0x210];
	(xrf1) =	vsort.dscd.msk.f32 $0xffff, v3, v53;
	v3, _, _ =	vpop (xrf2)  }
0x106: {  	v0 =	vsel vm0, v62, v50;
	v9, v62, _ =	vpop (xrf1)  }
0x107: {  	v32 =	vsel vm0, v32, v31;
	v50 =	vsel vm0, v62, v57;
	(erf) = vrcp.f32 v63;
	v63, v62, _ =	vpop (xrf1)  }
0x108: {  	v31 =	vsel vm0, v9, v56;
	(xrf1) =	vsort.dscd.msk.f32 $0xffff, v10, v49;
	v9 =	vperm.xlane v63, v4;
	v63, _, _ =	vpop (xrf2)  }
0x109: {  	v7 =	vld [tilespmem:s16+$0x220];
	(xrf1) =	vsort.dscd.msk.f32 $0xffff, v11, v6  }
0x10a: {  	v56 =	vperm.xlane v62, v4;
	v57 =	vbroadcast v63, $0xF;
	v62, v63, _ =	vpop (xrf1);
	(xrf1) =	vsort.dscd.msk.f32 $0xffff, v8, v53;
	v8 =	vld [tilespmem:$0x1FED0]  }
0x10b: {  	v5 =	vld [tilespmem:s16+$0x280];
	_ =	sdelay $0x1  }
0x10c: {  	v20 =	vperm.xlane v30, v4;
	v30 =	vperm.xlane v48, v4  }
0x10d: {  	v13 =	vld [tilespmem:s16+$0xFFFFFD00];
	v48 =	vperm.xlane v1, v4;
	v3 =	vbroadcast v3, $0xF;
	v10 =	vpop (erf)  }
0x10e: {  	v1 =	vld [tilespmem:s16+$0xFFFFFC00];
	(erf) = vrcp.f32 v57;
	v8 =	vmul.f32 v10, v8;
	v10 =	vsel vm0, v62, v51;
	v51, v62, _ =	vpop (xrf1);
	(xrf1) =	vsort.dscd.msk.f32 $0xffff, v7, v49  }
0x10f: {  	(xrf1) =	vsort.dscd.msk.f32 $0xffff, v5, v6;
	v5 =	vpop (erf);
	(erf) = vrcp.f32 v3;
	v3 =	vld [tilespmem:$0x1FEE0]  }
0x110: {  	v16 =	vld [tilespmem:s16+$0xFFFFFE00]  }
0x111: {  	v14 =	vld [tilespmem:s16+$0xFFFFFF00]  }
0x112: {  	v15 =	vld [tilespmem:s16+$0x0]  }
0x113: {  	v17 =	vld [tilespmem:s16+$0x100];
	v34 =	vsel vm0, v63, v34;
	v37 =	vsel vm0, v62, v37;
	v63, v62, _ =	vpop (xrf1);
	(xrf1) =	vsort.dscd.msk.f32 $0xffff, v1, v6  }
0x114: {  	[tilespmem:$0x1FF80] =	vst v12;
	v12 =	vld [tilespmem:s16+$0x200];
	(xrf1) =	vsort.dscd.msk.f32 $0xffff, v13, v6;
	v7 =	vmul.f32 v5, v3;
	v5, v13, _ =	vpop (xrf1)  }
0x115: {  	(xrf1) =	vsort.dscd.msk.f32 $0xffff, v16, v6;
	v16, v57, _ =	vpop (xrf1)  }
0x116: {  	v3 =	vperm.xlane v62, v4;
	(xrf1) =	vsort.dscd.msk.f32 $0xffff, v14, v6;
	v14, v62, _ =	vpop (xrf1)  }
0x117: {  	v1 =	vperm.xlane v63, v4;
	(xrf1) =	vsort.dscd.msk.f32 $0xffff, v15, v6;
	v11, v63, _ =	vpop (xrf1)  }
0x118: {  	v44 =	vsel vm0, v51, v44;
	v49, v51, _ =	vpop (xrf1);
	(xrf1) =	vsort.dscd.msk.f32 $0xffff, v17, v6;
	v17 =	vld [tilespmem:$0x1FF00]  }
0x119: {  	v15 =	vsel vm0, v49, v52;
	v53, v52, _ =	vpop (xrf1);
	(xrf1) =	vsort.dscd.msk.f32 $0xffff, v12, v6;
	v6 =	vld [tilespmem:$0x1FEF0];
	_ =	sdelay $0x4  }
0x11a: {  	(xrf1) =	vsort.dscd.msk.f32 $0xffff, v6, v17;
	v6 =	vld [tilespmem:$0x1FF10]  }
0x11b: {  	v17 =	vld [tilespmem:$0x1FF20];
	_ =	sdelay $0x4  }
0x11c: {  	(xrf1) =	vsort.dscd.msk.f32 $0xffff, v6, v17;
	v6 =	vld [tilespmem:$0x1FF30];
	_ =	sdelay $0x3  }
0x11d: {  	v17 =	vld [tilespmem:$0x1FF50]  }
0x11e: {  	v8 =	vsel vm0, v8, v6;
	v6 =	vld [tilespmem:$0x1FF40];
	_ =	sdelay $0x3  }
0x11f: {  	v13 =	vsel vm0, v13, v39;
	v16 =	vsel vm0, v16, v42  }
0x120: {  	v39 =	vperm.xlane v62, v4;
	v42 =	vsel vm0, v63, v46;
	v63, v62, _ =	vpop (xrf1);
	(xrf1) =	vsort.dscd.msk.f32 $0xffff, v6, v17;
	v6 =	vld [tilespmem:$0x1FF60];
	_ =	sdelay $0x4  }
0x121: {  	(xrf1) =	vsort.dscd.msk.f32 $0xffff, v6, v19;
	v6 =	vld [tilespmem:$0x1FF70];
	_ =	sdelay $0x3  }
0x122: {  	[tilespmem:s11+$0x10] =	vst v8  }
0x123: {  	[tilespmem:s12+$0x10] =	vst v6;
	v6 =	vld [tilespmem:$0x1FF80];
	_ =	sdelay $0x1  }
0x124: {  	v5 =	vsel vm0, v5, v38;
	v38 =	vsel vm0, v57, v43;
	v57 =	vpop (erf)  }
0x125: {  	v54 =	vperm.xlane v54, v4;
	v17 =	vpop (erf)  }
0x126: {  	v2 =	vmul.f32 v57, v2;
	v43 =	vsel vm0, v51, v18;
	v33 =	vmul.f32 v17, v33;
	v17, v18, _ =	vpop (xrf1)  }
0x127: {  	v41 =	vsel vm0, v62, v41;
	v62 =	vld [tilespmem:$0x1FF90];
	v17 =	vsel vm0, v17, v20;
	(xrf1) =	vsort.dscd.msk.f32 $0xffff, v6, v28;
	v20, v28, _ =	vpop (xrf1)  }
0x128: {  	v24 =	vperm.xlane v24, v4;
	v14 =	vperm.xlane v14, v4;
	(xrf1) =	vsort.dscd.msk.f32 $0xffff, v29, v27;
	v8, v29, _ =	vpop (xrf1)  }
0x129: {  	v57 =	vperm.xlane v55, v4;
	v11 =	vsel vm0, v11, v45;
	v2 =	vperm.xlane v2, v4;
	v19, v27, _ =	vpop (xrf1)  }
0x12a: {  	v40 =	vsel vm0, v63, v40;
	v18 =	vsel vm0, v18, v30;
	(xrf1) =	vsort.dscd.msk.f32 $0xffff, v58, v59;
	v63, v30, _ =	vpop (xrf1)  }
0x12b: {  	v12 =	vperm.xlane v53, v4;
	v2 =	vsel vm0, v33, v2;
	(xrf1) =	vsort.dscd.msk.f32 $0xffff, v21, v26;
	v21, v26, _ =	vpop (xrf1)  }
0x12c: {  	s11 =	sadd.s32 $0x80, s11;
	v6 =	vsel vm0, v62, v57;
	v20 =	vperm.xlane v20, v4;
	(xrf1) =	vsort.dscd.msk.f32 $0xffff, v22, v23;
	v22, v23, _ =	vpop (xrf1)  }
0x12d: {  	[tilespmem:s11+$0x30] =	vst v2;
	s12 =	sadd.s32 $0x80, s12;
	v28 =	vperm.xlane v28, v4;
	v24 =	vsel vm0, v26, v24;
	(xrf1) =	vsort.dscd.msk.f32 $0xffff, v32, v0;
	v32, v26, _ =	vpop (xrf1)  }
0x12e: {  	[tilespmem:s12+$0x30] =	vst v6;
	v6 =	vsel vm0, v22, v9;
	v22 =	vsel vm0, v23, v56;
	(xrf1) =	vsort.dscd.msk.f32 $0xffff, v31, v50;
	v9, v23, _ =	vpop (xrf1)  }
0x12f: {  	v8 =	vsel vm0, v8, v54;
	v33 =	vsel vm0, v26, v3;
	(xrf1) =	vsort.dscd.msk.f32 $0xffff, v10, v34;
	v3, v10, _ =	vpop (xrf1)  }
0x130: {  	v9 =	vsel vm0, v9, v14;
	v14 =	vsel vm0, v23, v39;
	(xrf1) =	vsort.dscd.msk.f32 $0xffff, v44, v37;
	v23, v26, _ =	vpop (xrf1)  }
0x131: {  	v25 =	vsel vm0, v30, v25;
	v3 =	vsel vm0, v3, v12;
	v12, v30, _ =	vpop (xrf1);
	(xrf1) =	vsort.dscd.msk.f32 $0xffff, v5, v13  }
0x132: {  	v29 =	vsel vm0, v29, v36;
	v5 =	vsel vm0, v23, v20;
	v20, v23, _ =	vpop (xrf1);
	(xrf1) =	vsort.dscd.msk.f32 $0xffff, v16, v38  }
0x133: {  	v13 =	vsel vm0, v26, v28;
	v16 =	vperm.xlane v30, v4;
	v26, v28, _ =	vpop (xrf1);
	(xrf1) =	vsort.dscd.msk.f32 $0xffff, v11, v42  }
0x134: {  	v11 =	vperm.xlane v20, v4;
	v20 =	vperm.xlane v23, v4;
	v23, v30, _ =	vpop (xrf1);
	(xrf1) =	vsort.dscd.msk.f32 $0xffff, v15, v43  }
0x135: {  	v15 =	vperm.xlane v26, v4;
	v26 =	vperm.xlane v28, v4;
	v28, v31, _ =	vpop (xrf1);
	(xrf1) =	vsort.dscd.msk.f32 $0xffff, v40, v41  }
0x136: {  	v2 =	vsel vm0, v63, v35;
	(xrf1) =	vsort.dscd.msk.f32 $0xffff, v17, v18  }
0x137: {  	v19 =	vsel vm0, v19, v47;
	v27 =	vsel vm0, v27, v48;
	v17, v18, _ =	vpop (xrf1);
	(xrf1) =	vsort.dscd.msk.f32 $0xffff, v8, v29  }
0x138: {  	v45 =	vperm.xlane v52, v4;
	v21 =	vsel vm0, v21, v61;
	v8, v29, _ =	vpop (xrf1);
	(xrf1) =	vsort.dscd.msk.f32 $0xffff, v19, v27  }
0x139: {  	v0 =	vsel vm0, v32, v1;
	v12 =	vperm.xlane v12, v4;
	(xrf1) =	vsort.dscd.msk.f32 $0xffff, v2, v25;
	v2, v25, _ =	vpop (xrf1)  }
0x13a: {  	v10 =	vsel vm0, v10, v45;
	v19 =	vperm.xlane v29, v4;
	v27, v29, _ =	vpop (xrf1);
	(xrf1) =	vsort.dscd.msk.f32 $0xffff, v21, v24  }
0x13b: {  	v12 =	vsel vm0, v27, v12;
	v16 =	vsel vm0, v29, v16;
	v21, v24, _ =	vpop (xrf1);
	(xrf1) =	vsort.dscd.msk.f32 $0xffff, v6, v22  }
0x13c: {  	v6 =	vperm.xlane v21, v4;
	v21 =	vperm.xlane v24, v4;
	v22, v24, _ =	vpop (xrf1);
	(xrf1) =	vsort.dscd.msk.f32 $0xffff, v0, v33  }
0x13d: {  	v34 =	vsel vm0, v22, v11;
	v35 =	vsel vm0, v24, v20;
	v11, v20, _ =	vpop (xrf1);
	(xrf1) =	vsort.dscd.msk.f32 $0xffff, v9, v14  }
0x13e: {  	v9 =	vperm.xlane v11, v4;
	v11 =	vperm.xlane v20, v4;
	v14, v20, _ =	vpop (xrf1);
	(xrf1) =	vsort.dscd.msk.f32 $0xffff, v3, v10  }
0x13f: {  	v3 =	vsel vm0, v14, v15;
	v22 =	vsel vm0, v20, v26;
	v20, v15, _ =	vpop (xrf1);
	(xrf1) =	vsort.dscd.msk.f32 $0xffff, v5, v13  }
0x140: {  	v23 =	vperm.xlane v23, v4;
	v30 =	vperm.xlane v30, v4;
	(xrf1) =	vsort.dscd.msk.f32 $0xffff, v12, v16;
	v12, v14, _ =	vpop (xrf1)  }
0x141: {  	v28 =	vperm.xlane v28, v4;
	v31 =	vperm.xlane v31, v4;
	(xrf1) =	vsort.dscd.msk.f32 $0xffff, v34, v35;
	v0, v1, _ =	vpop (xrf1)  }
0x142: {  	v17 =	vperm.xlane v17, v4;
	v5 =	vperm.xlane v20, v4;
	(xrf1) =	vsort.dscd.msk.f32 $0xffff, v3, v22;
	v3, v10, _ =	vpop (xrf1)  }
0x143: {  	v13 =	vperm.xlane v15, v4;
	v20 =	vsel vm0, v12, v23;
	v15 =	vsel vm0, v14, v30;
	v12, v14, _ =	vpop (xrf1)  }
0x144: {  	v22 =	vsel vm0, v3, v28;
	v23 =	vsel vm0, v10, v31;
	v3, v10, _ =	vpop (xrf1)  }
0x145: {  	(xrf1) =	vsort.dscd.msk.f32 $0xffff, v20, v15;
	v20 =	vsel vm0, v3, v17;
	v17 =	vld [tilespmem:$0x1FFA0];
	_ =	sdelay $0x4  }
0x146: {  	v8 =	vperm.xlane v8, v4;
	v7 =	vsel vm0, v7, v17;
	v17 =	vld [tilespmem:$0x1FFB0]  }
0x147: {  	v18 =	vperm.xlane v18, v4  }
0x148: {  	v15, v16, _ =	vpop (xrf1)  }
0x149: {  	v2 =	vperm.xlane v2, v4;
	v25 =	vperm.xlane v25, v4;
	v18 =	vsel vm0, v10, v18;
	v3, v10, _ =	vpop (xrf1)  }
0x14a: {  	(xrf1) =	vsort.dscd.msk.f32 $0xffff, v22, v23;
	v3 =	vsel vm0, v3, v8;
	v19 =	vsel vm0, v10, v19;
	v8, v10, _ =	vpop (xrf1);
	[tilespmem:s13+$0x20] =	vst v7  }
0x14b: {  	(xrf1) =	vsort.dscd.msk.f32 $0xffff, v20, v18;
	v18 =	vsel vm0, v8, v2;
	v8 =	vsel vm0, v10, v25;
	[tilespmem:s14+$0x20] =	vst v17;
	v10, v17, _ =	vpop (xrf1)  }
0x14c: {  	(xrf1) =	vsort.dscd.msk.f32 $0xffff, v3, v19;
	v3 =	vsel vm0, v10, v6  }
0x14d: {  	v0 =	vperm.xlane v0, v4  }
0x14e: {  	v1 =	vperm.xlane v1, v4;
	v10 =	vsel vm0, v17, v21;
	(xrf1) =	vsort.dscd.msk.f32 $0xffff, v18, v8;
	v36, v7, _ =	vpop (xrf1)  }
0x14f: {  	v8 =	vsel vm0, v36, v9;
	v7 =	vsel vm0, v7, v11;
	(xrf1) =	vsort.dscd.msk.f32 $0xffff, v3, v10;
	v3, v6, _ =	vpop (xrf1)  }
0x150: {  	(xrf1) =	vsort.dscd.msk.f32 $0xffff, v8, v7;
	v9 =	vsel vm0, v3, v5;
	v5 =	vsel vm0, v6, v13  }
0x151: {  	v12 =	vperm.xlane v12, v4;
	v37, v6, _ =	vpop (xrf1);
	(xrf1) =	vsort.dscd.msk.f32 $0xffff, v9, v5  }
0x152: {  	v14 =	vperm.xlane v14, v4;
	v10 =	vsel vm0, v37, v0;
	v8 =	vsel vm0, v6, v1;
	v38, v3, _ =	vpop (xrf1)  }
0x153: {  	(xrf1) =	vsort.dscd.msk.f32 $0xffff, v10, v8;
	v39, v40, _ =	vpop (xrf1)  }
0x154: {  	v2 =	vsel vm0, v38, v12;
	v3 =	vsel vm0, v3, v14;
	v5, v6, _ =	vpop (xrf1)  }
0x155: {  	(xrf1) =	vsort.dscd.msk.f32 $0xffff, v2, v3;
	v41 =	vnsel vm0, $0x0, v5  }
0x156: {  	v3 =	vperm.xlane v6, v4;
	v6, v7, _ =	vpop (xrf1);
	(xrf2) =	vadd.scan.msk.f32 $0xffff, v41  }
0x157: {  	v43 =	vperm.xlane v7, v4;
	v7, v8, _ =	vpop (xrf1)  }
0x158: {  	v27, v9, _ =	vpop (xrf1)  }
0x159: {  	v42 =	vnsel vm0, $0x0, v6;
	v12 =	vperm.xlane v9, v4;
	v20, v9, _ =	vpop (xrf1)  }
0x15a: {  	(xrf2) =	vadd.scan.msk.f32 $0xffff, v42;
	v10, v44, _ =	vpop (xrf1)  }
0x15b: {  	v16 =	vperm.xlane v16, v4;
	v11 =	vnsel vm0, $0x0, v7;
	v24 =	vperm.xlane v9, v4;
	v9, v13, _ =	vpop (xrf1)  }
0x15c: {  	v22 =	vnsel vm0, $0x0, v27;
	(xrf2) =	vadd.scan.msk.f32 $0xffff, v11;
	v30 =	vperm.xlane v13, v4;
	v13, v14, _ =	vpop (xrf1)  }
0x15d: {  	v1 =	vsel vm0, v40, v16;
	(xrf2) =	vadd.scan.msk.f32 $0xffff, v22;
	v21 =	vsel vm0, v14, v3;
	v14, v3, _ =	vpop (xrf1)  }
0x15e: {  	v15 =	vperm.xlane v15, v4;
	v18, v46, _ =	vpop (xrf1)  }
0x15f: {  	v16, v47, _ =	vpop (xrf1)  }
0x160: {  	v0 =	vsel vm0, v39, v15;
	v51, _, _ =	vpop (xrf2)  }
0x161: {  	(xrf1) =	vsort.dscd.msk.f32 $0xffff, v0, v1;
	v23 =	vnsel vm0, $0x0, v20;
	v15 =	vsel vm0, v47, v12;
	v12, v1, _ =	vpop (xrf1)  }
0x162: {  	(xrf2) =	vadd.scan.msk.f32 $0xffff, v23;
	v11 =	vsel vm0, v1, v24;
	v1 =	vbroadcast v51, $0xF;
	_ =	sdelay $0x1  }
0x163: {  	v28 =	vnsel vm0, $0x0, v10;
	v52, _, _ =	vpop (xrf2);
	(erf) = vrcp.f32 v1  }
0x164: {  	v2 =	vperm.xlane v44, v4;
	v29 =	vnsel vm0, $0x0, v9;
	(xrf2) =	vadd.scan.msk.f32 $0xffff, v28;
	v37, v49, _ =	vpop (xrf1)  }
0x165: {  	v45 =	vnsel vm0, $0x0, v13;
	v53, _, _ =	vpop (xrf2);
	(xrf2) =	vadd.scan.msk.f32 $0xffff, v29  }
0x166: {  	v35 =	vsel vm0, v49, v2;
	v2 =	vbroadcast v52, $0xF;
	v54, _, _ =	vpop (xrf2);
	(xrf2) =	vadd.scan.msk.f32 $0xffff, v45  }
0x167: {  	v1 =	vbroadcast v53, $0xF  }
0x168: {  	(erf) = vrcp.f32 v2  }
0x169: {  	(erf) = vrcp.f32 v1  }
0x16a: {  	v2 =	vbroadcast v54, $0xF  }
0x16b: {  	v31 =	vnsel vm0, $0x0, v14;
	v55, _, _ =	vpop (xrf2)  }
0x16c: {  	(xrf2) =	vadd.scan.msk.f32 $0xffff, v31;
	v56 =	vpop (erf);
	(erf) = vrcp.f32 v2;
	_ =	sdelay $0x1  }
0x16d: {  	v8 =	vperm.xlane v8, v4;
	v57, _, _ =	vpop (xrf2)  }
0x16e: {  	v19 =	vsel vm0, v3, v43;
	v3 =	vnsel vm0, $0x0, v18;
	v0 =	vbroadcast v55, $0xF;
	v59, _, _ =	vpop (xrf2)  }
0x16f: {  	s15 =	sadd.s32 $0x8, s15;
	v2 =	vbroadcast v57, $0xF;
	v62, _, _ =	vpop (xrf2)  }
0x170: {  	p0 =	slt.u32 s15, $0xF8;
	v17 =	vsel vm0, v46, v8;
	v1 =	vmul.f32 v56, v5;
	v5 =	vpop (erf);
	(erf) = vrcp.f32 v0  }
.Ltmp0:
0x171: {  	v8 =	vnsel vm0, $0x0, v16;
	(xrf2) =	vadd.scan.msk.f32 $0xffff, v3;
	v28 =	vbroadcast v62, $0xF;
	v58 =	vmul.f32 v5, v6;
	v3 =	vpop (erf);
	(pc) =	sbr.rel @p0 .LBB2_2-.Ltmp0, $4  }
0x172: {  	v48 =	vnsel vm0, $0x0, v12;
	(erf) = vrcp.f32 v2;
	v61 =	vmul.f32 v3, v7  }
0x173: {  	v26 =	vnsel vm0, $0x0, v37;
	v36, v50, _ =	vpop (xrf1);
	v24 =	vperm.xlane v1, v4;
	v1 =	vbroadcast v59, $0xF  }
0x174: {  	v25 =	vnsel vm0, $0x0, v36;
	(xrf2) =	vadd.scan.msk.f32 $0xffff, v8;
	v23 =	vperm.xlane v58, v4;
	v22 =	vperm.xlane v61, v4;
	v63 =	vpop (erf)  }
0x175: {  	s16 =	sadd.s32 $0x800, s16;
	s13 =	smov.u32 s11;
	s14 =	smov.u32 s12;
	v34 =	vsel vm0, v50, v30;
	(xrf2) =	vadd.scan.msk.f32 $0xffff, v48;
	v29, _, _ =	vpop (xrf2);
	(erf) = vrcp.f32 v1;
	v27 =	vmul.f32 v63, v27  }
0x176: {  	_ = 	snop  }
0x177: {  	(xrf2) =	vadd.scan.msk.f32 $0xffff, v26;
	_ =	sdelay $0x1  }
0x178: {  	(xrf2) =	vadd.scan.msk.f32 $0xffff, v25  }
0x179: {  	v0 =	vbroadcast v29, $0xF  }
0x17a: {  	v1, _, _ =	vpop (xrf2)  }
0x17b: {  	(erf) = vrcp.f32 v28;
	v2 =	vpop (erf);
	v1 =	vbroadcast v1, $0xF  }
0x17c: {  	(erf) = vrcp.f32 v0;
	v3 =	vpop (erf)  }
0x17d: {  	v0, _, _ =	vpop (xrf2)  }
0x17e: {  	(erf) = vrcp.f32 v1;
	v5 =	vpop (erf);
	v0 =	vbroadcast v0, $0xF  }
0x17f: {  	v1, _, _ =	vpop (xrf2)  }
0x180: {  	(erf) = vrcp.f32 v0;
	v0 =	vbroadcast v1, $0xF;
	v1, _, _ =	vpop (xrf2)  }
0x181: {  	v1 =	vbroadcast v1, $0xF  }
0x182: {  	v6, _, _ =	vpop (xrf2)  }
0x183: {  	v6 =	vbroadcast v6, $0xF  }
0x184: {  	(erf) = vrcp.f32 v0;
	v0 =	vpop (erf)  }
0x185: {  	(erf) = vrcp.f32 v1;
	v0 =	vmul.f32 v0, v13;
	v1 =	vpop (erf)  }
0x186: {  	v1 =	vmul.f32 v1, v14  }
0x187: {  	(erf) = vrcp.f32 v6;
	v6 =	vpop (erf);
	v0 =	vsel vm0, v0, v24  }
0x188: {  	[tilespmem:s11+$0xFFFFFFC0] =	vst v0;
	v0 =	vsel vm0, v1, v23;
	v1 =	vmul.f32 v6, v18;
	_ =	sdelay $0x1  }
0x189: {  	v1 =	vsel vm0, v1, v22  }
0x18a: {  	v2 =	vmul.f32 v2, v20;
	[tilespmem:s11+$0xFFFFFFD0] =	vst v0;
	v0 =	vpop (erf)  }
0x18b: {  	v6 =	vperm.xlane v27, v4;
	v0 =	vmul.f32 v0, v16  }
0x18c: {  	[tilespmem:s11+$0xFFFFFFE0] =	vst v1;
	v1 =	vpop (erf)  }
0x18d: {  	v2 =	vperm.xlane v2, v4;
	[tilespmem:s12+$0xFFFFFFC0] =	vst v21;
	v0 =	vsel vm0, v0, v6;
	v1 =	vmul.f32 v1, v12  }
0x18e: {  	v3 =	vmul.f32 v3, v10;
	[tilespmem:s12+$0xFFFFFFD0] =	vst v19  }
0x18f: {  	[tilespmem:s12+$0xFFFFFFE0] =	vst v17;
	v1 =	vsel vm0, v1, v2  }
0x190: {  	v3 =	vperm.xlane v3, v4;
	[tilespmem:s11+$0xFFFFFFF0] =	vst v0;
	v0 =	vpop (erf)  }
0x191: {  	v5 =	vmul.f32 v5, v9;
	[tilespmem:s12+$0xFFFFFFF0] =	vst v15;
	v0 =	vmul.f32 v0, v37  }
0x192: {  	[tilespmem:s11+$0x0] =	vst v1;
	v1 =	vpop (erf)  }
0x193: {  	v2 =	vperm.xlane v5, v4;
	[tilespmem:s12+$0x0] =	vst v11;
	v1 =	vmul.f32 v1, v36;
	v0 =	vsel vm0, v0, v3  }
0x194: {  	[tilespmem:s11+$0x10] =	vst v0  }
0x195: {  	[tilespmem:s12+$0x10] =	vst v35;
	v0 =	vsel vm0, v1, v2  }
0x196: {  	[tilespmem:s13+$0x20] =	vst v0  }
0x197: {  	[tilespmem:s14+$0x20] =	vst v34  }
0x198: {  	[hbm4b:s4+s2] =	stream.linear.scatter [tilespmem:s8], [sflag:$0x1], $0x1000, $0x38;
	[tilespmem:$0x12000] =	vst v63  }
0x199: {  	s10 =	sadd.s32 $0x1, s10;
	_ =	swait.ge [sflag:s7], $0x1000  }
0x19a: {  	p0 =	sne.s32 s10, s6;
	[sflag:s7] =	ssyncset.done $0x0  }
.Ltmp1:
0x19b: {  	[sflag:s7] =	ssyncadd.s32 $0xFFFFF000;
	(pc) =	sbr.rel @p0 .LBB2_1-.Ltmp1, $4  }
0x19c: {  	[hbm4b:s5+s2] =	stream.linear.scatter [tilespmem:s9], [sflag:$0x1], $0x1000, $0x38;
	[tilespmem:$0x12000] =	vst v63  }
0x19d: {  	_ =	swait.ge [sflag:s7], $0x1000  }
0x19e: {  	[sflag:s7] =	ssyncset.done $0x0;
	v1 =	vld [tilespmem:$0x1FFE0]  }
0x19f: {  	v3 =	vmov v60;
	v0 =	vlaneseq.u32;
	v2 =	vld [tilespmem:$0x1FFF0];
	[sflag:s7] =	ssyncadd.s32 $0xFFFFF000  }
0x1a0: {  	_ =	sfence.sel $0x180000  }
0x1a1: {  	[bflag:$0x0] =	sbarrier.arrive $0xFFFF  }
0x1a2: {  	p0 =	sne.s32 s1, $0x0;
	_ =	strace $0x90000047  }
0x1a3: {  	s0 =	sadd.s32 @!p0 $0x100000, s0;
	[bflag:$0x2] =	sbarrier.arrive $0xFFFF  }
0x1a4: {  	[sflag:s0] =	ssyncadd.tile.s32 @!p0 $0x1;
	_ =	shalt  }
.Lfunc_end2:
_tile_overlayer_lowered:
.L_overlay_start_2:
0x1a5: {  	(tag) =	ssettag $0x2  }
0x1a6: {  	s0 =	rddreg [dreg:$0x0];
	s2 =	stileid.u32  }
0x1a7: {  	s1 =	rddreg [dreg:$0x1];
	p0 =	sne.s32 s2, $0x0  }
0x1a8: {  	s3 =	rddreg [dreg:$0x2];
	[bflag:$0x3] =	sbarrier.arrive $0xFFFF;
	s2 =	simm.s32 @!p0 $0x1C01  }
0x1a9: {  	[timem:s3], [sflag:s2] =	dma.local @!p0 [hbm:s0], s1  }
0x1aa: {  	s0 =	simm.s32 @!p0 $0x1  }
0x1ab: {  	_ =	swait.ge @!p0 [sflag:s0], s1  }
0x1ac: {  	s1 =	ssub.s32 @!p0 $0x0, s1;
	[sflag:s0] =	ssyncset.done @!p0 $0x0  }
0x1ad: {  	[sflag:s0] =	ssyncadd.s32 @!p0 s1  }
0x1ae: {  	[bflag:$0x3] =	sbarrier.arrive $0xFFFF  }
0x1af: {  	_ =	shalt  }

</sc_bundles>
